<compile_context>
chip_gen: v7x
topology: tpu7x:2x2x1
jax: 0.10.2.dev20260603
libtpu: 0.0.44.dev20260713+nightly
codegen_flags: <defaults>
</compile_context>

<pallas_src>
import functools

import jax
import jax.numpy as jnp
from jax import lax
from jax.experimental import pallas as pl
from jax.experimental.pallas import tpu as pltpu
from jax.experimental.pallas import tpu_sc as plsc

R = 256
EPS = 1e-10
N = 2000000
CROWS = 16000
CCOLS = 125
BLKR = 1000
GRID = R * R * R

NSUB = 16
NW = 2 * NSUB
CHR = 8
NBLK = CROWS // CHR
NBUF = 3
ZWORDS = 65536
ZCOPIES = GRID // NW // ZWORDS


def _minmax_body(x_ref, y_ref, z_ref, xn_ref, xx_ref, yn_ref, yx_ref,
                 zn_ref, zx_ref):
    i = pl.program_id(0)
    x, y, z = x_ref[...], y_ref[...], z_ref[...]

    @pl.when(i == 0)
    def _():
        xn_ref[0] = jnp.min(x)
        xx_ref[0] = jnp.max(x)
        yn_ref[0] = jnp.min(y)
        yx_ref[0] = jnp.max(y)
        zn_ref[0] = jnp.min(z)
        zx_ref[0] = jnp.max(z)

    @pl.when(i != 0)
    def _():
        xn_ref[0] = jnp.minimum(xn_ref[0], jnp.min(x))
        xx_ref[0] = jnp.maximum(xx_ref[0], jnp.max(x))
        yn_ref[0] = jnp.minimum(yn_ref[0], jnp.min(y))
        yx_ref[0] = jnp.maximum(yx_ref[0], jnp.max(y))
        zn_ref[0] = jnp.minimum(zn_ref[0], jnp.min(z))
        zx_ref[0] = jnp.maximum(zx_ref[0], jnp.max(z))


def _quant_body(mins_ref, scales_ref, x_ref, y_ref, z_ref, out_ref):
    r = jnp.float32(R - 1)
    qx = jnp.floor(jnp.clip((x_ref[...] - mins_ref[0]) / scales_ref[0] * r,
                            0.0, r)).astype(jnp.int32)
    qy = jnp.floor(jnp.clip((y_ref[...] - mins_ref[1]) / scales_ref[1] * r,
                            0.0, r)).astype(jnp.int32)
    qz = jnp.floor(jnp.clip((z_ref[...] - mins_ref[2]) / scales_ref[2] * r,
                            0.0, r)).astype(jnp.int32)
    out_ref[...] = (qx << 16) | (qy << 8) | qz


def _tobool_body(g_ref, out_ref):
    out_ref[...] = g_ref[...] != 0


def _sc_scatter_body(idx_hbm, grid_hbm, zbuf, idx_bufs, ones_ref,
                     zsem, stsems, scsems, xsem):
    core = lax.axis_index("c")
    tile = lax.axis_index("s")
    w = core * NSUB + tile

    def zinit(i, carry):
        zbuf[pl.ds(i * 16, 16)] = jnp.zeros((16,), jnp.int32)
        return carry
    lax.fori_loop(0, ZWORDS // 16, zinit, 0)
    for k in range(7):
        ones_ref[pl.ds(k * 16, 16)] = jnp.ones((16,), jnp.int32)
    ones_ref[pl.ds(CCOLS - 16, 16)] = jnp.ones((16,), jnp.int32)

    zdescs = []
    for k in range(ZCOPIES):
        off = w * (GRID // NW) + k * ZWORDS
        zdescs.append(pltpu.async_copy(
            zbuf, grid_hbm.at[pl.ds(off, ZWORDS)], zsem))
    for d in zdescs:
        d.wait()

    plsc.subcore_barrier()
    pltpu.semaphore_signal(xsem, 1, core_index=1 - core)
    pl.semaphore_wait(xsem, 1)

    nblk = jnp.where(w < NBLK % NW, NBLK // NW + 1, NBLK // NW)
    start = (w * (NBLK // NW) + jnp.minimum(w, NBLK % NW)) * CHR

    def stage(c, b):
        pltpu.async_copy(idx_hbm.at[pl.ds(start + c * CHR, CHR)],
                         idx_bufs.at[b], stsems.at[b])

    def chunk(c, carry):
        @pl.when(c < nblk)
        def _():
            cur = lax.rem(c, NBUF)
            nxt = lax.rem(c + 1, NBUF)
            pltpu.make_async_copy(idx_hbm.at[pl.ds(0, CHR)],
                                  idx_bufs.at[cur], stsems.at[cur]).wait()
            for j in range(CHR):
                pltpu.async_copy(ones_ref,
                                 grid_hbm.at[idx_bufs.at[cur, j]],
                                 scsems.at[cur])
            @pl.when(c + 1 < nblk)
            def _():
                @pl.when(c + 1 >= NBUF)
                def _():
                    for j in range(CHR):
                        pltpu.make_async_copy(
                            ones_ref, grid_hbm.at[idx_bufs.at[nxt, j]],
                            scsems.at[nxt]).wait()
                stage(c + 1, nxt)
        return carry

    stage(0, 0)
    lax.fori_loop(0, NBLK // NW + 1, chunk, 0)

    for b in range(NBUF):
        for j in range(CHR):
            pltpu.make_async_copy(ones_ref,
                                  grid_hbm.at[idx_bufs.at[b, j]],
                                  scsems.at[b]).wait()


_sc_scatter = functools.partial(
    pl.kernel,
    out_type=jax.ShapeDtypeStruct((GRID,), jnp.int32),
    mesh=plsc.VectorSubcoreMesh(core_axis_name="c", subcore_axis_name="s"),
    scratch_types=[
        pltpu.VMEM((ZWORDS,), jnp.int32),
        pltpu.VMEM((NBUF, CHR, CCOLS), jnp.int32),
        pltpu.VMEM((CCOLS,), jnp.int32),
        pltpu.SemaphoreType.DMA,
        pltpu.SemaphoreType.DMA((NBUF,)),
        pltpu.SemaphoreType.DMA((NBUF,)),
        pltpu.SemaphoreType.REGULAR,
    ],
)(_sc_scatter_body)


@jax.jit
def kernel(point_cloud):
    xs = point_cloud[:, 0].reshape(CROWS, CCOLS)
    ys = point_cloud[:, 1].reshape(CROWS, CCOLS)
    zs = point_cloud[:, 2].reshape(CROWS, CCOLS)

    blk = pl.BlockSpec((BLKR, CCOLS), lambda i: (i, 0))
    sout = pl.BlockSpec(memory_space=pltpu.SMEM)
    s1 = jax.ShapeDtypeStruct((1,), jnp.float32)

    xn, xx, yn, yx, zn, zx = pl.pallas_call(
        _minmax_body,
        grid=(CROWS // BLKR,),
        in_specs=[blk, blk, blk],
        out_specs=[sout] * 6,
        out_shape=[s1] * 6,
    )(xs, ys, zs)

    min_bounds = jnp.concatenate([xn, yn, zn])
    max_bounds = jnp.concatenate([xx, yx, zx])
    scale = max_bounds - min_bounds
    scale = jnp.where(scale == 0, jnp.ones_like(scale) * jnp.float32(EPS),
                      scale)

    idx = pl.pallas_call(
        _quant_body,
        grid=(CROWS // BLKR,),
        in_specs=[pl.BlockSpec(memory_space=pltpu.SMEM),
                  pl.BlockSpec(memory_space=pltpu.SMEM),
                  blk, blk, blk],
        out_specs=blk,
        out_shape=jax.ShapeDtypeStruct((CROWS, CCOLS), jnp.int32),
    )(min_bounds, scale, xs, ys, zs)

    grid_i32 = _sc_scatter(idx)

    grid_bool = pl.pallas_call(
        _tobool_body,
        grid=(8,),
        in_specs=[pl.BlockSpec((512, 4096), lambda i: (i, 0))],
        out_specs=pl.BlockSpec((512, 4096), lambda i: (i, 0)),
        out_shape=jax.ShapeDtypeStruct((4096, 4096), jnp.bool_),
    )(grid_i32.reshape(4096, 4096))

    return (grid_bool.reshape(R, R, R), min_bounds, max_bounds, scale)

# --- scband reference (transcript-rebuilt; emitter-appended) ---
"""Pipeline reference for scband-octree-coder-8426725834859 (READ-ONLY COPY).

The authoritative reference and input builder live on the scoring server;
editing this copy changes nothing except your own understanding.
"""

import jax, jax.numpy as jnp
import numpy as np

RESOLUTION = 256
EPSILON = 1e-10


def setup_inputs(seed: int = 0) -> dict:
    key = jax.random.key(seed)
    point_cloud = jax.random.normal(key, (2000000, 3), dtype=jnp.float32)
    return {"point_cloud": point_cloud}


def reference(point_cloud):
    R = RESOLUTION
    min_bounds = jnp.min(point_cloud, axis=0)
    max_bounds = jnp.max(point_cloud, axis=0)
    scale = max_bounds - min_bounds
    scale = jnp.where(scale == 0, jnp.ones_like(scale) * EPSILON, scale)
    scaled_points = (point_cloud - min_bounds) / scale * jnp.float32(R - 1)
    indices = jnp.clip(scaled_points, 0.0, float(R - 1)).astype(jnp.int32)
    grid = jnp.zeros((R, R, R), dtype=jnp.bool_)
    # tf.tensor_scatter_nd_update with True updates == scatter-overwrite set(True)
    grid = grid.at[indices[:, 0], indices[:, 1], indices[:, 2]].set(True)
    # metadata returned as arrays (min_bounds/max_bounds/scale) instead of .numpy() dict
    return grid, min_bounds, max_bounds, scale

if __name__ == "__main__":
    import jax
    _d = setup_inputs()
    print(jax.jit(kernel)(*tuple(_d.values())))

</pallas_src>

<mosaic_0001>
#map = affine_map<(d0, d1) -> (0, 0)>
#map1 = affine_map<(d0, d1) -> (0)>
module attributes {stable_mosaic.version = 14 : i64} {
  func.func @_sc_scatter_body(%arg0: i32, %arg1: i32, %arg2: memref<16000x125xi32, #tpu.memory_space<hbm>>, %arg3: memref<16777216xi32, #tpu.memory_space<hbm>>, %arg4: memref<65536xi32, #tpu.memory_space<vmem>>, %arg5: memref<3x8x125xi32, #tpu.memory_space<vmem>>, %arg6: memref<125xi32, #tpu.memory_space<vmem>>, %arg7: memref<!tpu.dma_semaphore, #tpu.memory_space<semaphore_mem>>, %arg8: memref<3x!tpu.dma_semaphore, #tpu.memory_space<semaphore_mem>>, %arg9: memref<3x!tpu.dma_semaphore, #tpu.memory_space<semaphore_mem>>, %arg10: memref<!tpu.semaphore, #tpu.memory_space<semaphore_mem>>) attributes {dimension_semantics = [#tpu.dimension_semantics<core_parallel>, #tpu.dimension_semantics<subcore_parallel>], iteration_bounds = array<i64: 2, 16>, scalar_prefetch = 0 : i64, scratch_operands = 7 : i64, tpu.core_type = #tpu.core_type<sc_vector_subcore>, window_params = [{transform_indices = #map}, {transform_indices = #map1}]} {
    %mul3A = arith.constant 16 : i32
    %mul3A_0 = arith.muli %arg0, %mul3A : i32
    %add3A = arith.addi %mul3A_0, %arg1 : i32
    %scan3A = arith.constant 0 : i32
    %scan3A_1 = arith.constant 0 : i32
    %scan3A_2 = arith.constant 4096 : i32
    %scan3A_3 = arith.addi %scan3A_1, %scan3A_2 : i32
    %scan3A_4 = arith.constant 1 : i32
    scf.for %scan3A_388 = %scan3A_1 to %scan3A_3 step %scan3A_4  : i32 {
      %broadcast_in_dim3A_389 = arith.constant 0 : i32
      %broadcast_in_dim3A_390 = vector.broadcast %broadcast_in_dim3A_389 : i32 to vector<16xi32>
      %mul3A_391 = arith.constant 16 : i32
      %mul3A_392 = arith.muli %scan3A_388, %mul3A_391 : i32
      %swap3A_393 = arith.index_cast %mul3A_392 : i32 to index
      %swap3A_394 = tpu.vector_load %arg4[%swap3A_393] {strides = array<i32>} : memref<65536xi32, #tpu.memory_space<vmem>>, vector<16xi32>,
      %swap3A_395 = vector.shape_cast %swap3A_394 : vector<16xi32> to vector<16xi32>
      %swap3A_396 = vector.shape_cast %broadcast_in_dim3A_390 : vector<16xi32> to vector<16xi32>
      tpu.vector_store %arg4[%swap3A_393], %swap3A_396 {strides = array<i32>} : memref<65536xi32, #tpu.memory_space<vmem>>, vector<16xi32>,
    }
    %scan3A_5 = arith.constant 4096 : i32
    %broadcast_in_dim3A = arith.constant 1 : i32
    %broadcast_in_dim3A_6 = vector.broadcast %broadcast_in_dim3A : i32 to vector<16xi32>
    %swap3A = arith.constant 0 : index
    %swap3A_7 = tpu.vector_load %arg6[%swap3A] {strides = array<i32>} : memref<125xi32, #tpu.memory_space<vmem>>, vector<16xi32>,
    %swap3A_8 = vector.shape_cast %swap3A_7 : vector<16xi32> to vector<16xi32>
    %swap3A_9 = vector.shape_cast %broadcast_in_dim3A_6 : vector<16xi32> to vector<16xi32>
    tpu.vector_store %arg6[%swap3A], %swap3A_9 {strides = array<i32>} : memref<125xi32, #tpu.memory_space<vmem>>, vector<16xi32>,
    %broadcast_in_dim3A_10 = arith.constant 1 : i32
    %broadcast_in_dim3A_11 = vector.broadcast %broadcast_in_dim3A_10 : i32 to vector<16xi32>
    %swap3A_12 = arith.constant 16 : index
    %swap3A_13 = tpu.vector_load %arg6[%swap3A_12] {strides = array<i32>} : memref<125xi32, #tpu.memory_space<vmem>>, vector<16xi32>,
    %swap3A_14 = vector.shape_cast %swap3A_13 : vector<16xi32> to vector<16xi32>
    %swap3A_15 = vector.shape_cast %broadcast_in_dim3A_11 : vector<16xi32> to vector<16xi32>
    tpu.vector_store %arg6[%swap3A_12], %swap3A_15 {strides = array<i32>} : memref<125xi32, #tpu.memory_space<vmem>>, vector<16xi32>,
    %broadcast_in_dim3A_16 = arith.constant 1 : i32
    %broadcast_in_dim3A_17 = vector.broadcast %broadcast_in_dim3A_16 : i32 to vector<16xi32>
    %swap3A_18 = arith.constant 32 : index
    %swap3A_19 = tpu.vector_load %arg6[%swap3A_18] {strides = array<i32>} : memref<125xi32, #tpu.memory_space<vmem>>, vector<16xi32>,
    %swap3A_20 = vector.shape_cast %swap3A_19 : vector<16xi32> to vector<16xi32>
    %swap3A_21 = vector.shape_cast %broadcast_in_dim3A_17 : vector<16xi32> to vector<16xi32>
    tpu.vector_store %arg6[%swap3A_18], %swap3A_21 {strides = array<i32>} : memref<125xi32, #tpu.memory_space<vmem>>, vector<16xi32>,
    %broadcast_in_dim3A_22 = arith.constant 1 : i32
    %broadcast_in_dim3A_23 = vector.broadcast %broadcast_in_dim3A_22 : i32 to vector<16xi32>
    %swap3A_24 = arith.constant 48 : index
    %swap3A_25 = tpu.vector_load %arg6[%swap3A_24] {strides = array<i32>} : memref<125xi32, #tpu.memory_space<vmem>>, vector<16xi32>,
    %swap3A_26 = vector.shape_cast %swap3A_25 : vector<16xi32> to vector<16xi32>
    %swap3A_27 = vector.shape_cast %broadcast_in_dim3A_23 : vector<16xi32> to vector<16xi32>
    tpu.vector_store %arg6[%swap3A_24], %swap3A_27 {strides = array<i32>} : memref<125xi32, #tpu.memory_space<vmem>>, vector<16xi32>,
    %broadcast_in_dim3A_28 = arith.constant 1 : i32
    %broadcast_in_dim3A_29 = vector.broadcast %broadcast_in_dim3A_28 : i32 to vector<16xi32>
    %swap3A_30 = arith.constant 64 : index
    %swap3A_31 = tpu.vector_load %arg6[%swap3A_30] {strides = array<i32>} : memref<125xi32, #tpu.memory_space<vmem>>, vector<16xi32>,
    %swap3A_32 = vector.shape_cast %swap3A_31 : vector<16xi32> to vector<16xi32>
    %swap3A_33 = vector.shape_cast %broadcast_in_dim3A_29 : vector<16xi32> to vector<16xi32>
    tpu.vector_store %arg6[%swap3A_30], %swap3A_33 {strides = array<i32>} : memref<125xi32, #tpu.memory_space<vmem>>, vector<16xi32>,
    %broadcast_in_dim3A_34 = arith.constant 1 : i32
    %broadcast_in_dim3A_35 = vector.broadcast %broadcast_in_dim3A_34 : i32 to vector<16xi32>
    %swap3A_36 = arith.constant 80 : index
    %swap3A_37 = tpu.vector_load %arg6[%swap3A_36] {strides = array<i32>} : memref<125xi32, #tpu.memory_space<vmem>>, vector<16xi32>,
    %swap3A_38 = vector.shape_cast %swap3A_37 : vector<16xi32> to vector<16xi32>
    %swap3A_39 = vector.shape_cast %broadcast_in_dim3A_35 : vector<16xi32> to vector<16xi32>
    tpu.vector_store %arg6[%swap3A_36], %swap3A_39 {strides = array<i32>} : memref<125xi32, #tpu.memory_space<vmem>>, vector<16xi32>,
    %broadcast_in_dim3A_40 = arith.constant 1 : i32
    %broadcast_in_dim3A_41 = vector.broadcast %broadcast_in_dim3A_40 : i32 to vector<16xi32>
    %swap3A_42 = arith.constant 96 : index
    %swap3A_43 = tpu.vector_load %arg6[%swap3A_42] {strides = array<i32>} : memref<125xi32, #tpu.memory_space<vmem>>, vector<16xi32>,
    %swap3A_44 = vector.shape_cast %swap3A_43 : vector<16xi32> to vector<16xi32>
    %swap3A_45 = vector.shape_cast %broadcast_in_dim3A_41 : vector<16xi32> to vector<16xi32>
    tpu.vector_store %arg6[%swap3A_42], %swap3A_45 {strides = array<i32>} : memref<125xi32, #tpu.memory_space<vmem>>, vector<16xi32>,
    %broadcast_in_dim3A_46 = arith.constant 1 : i32
    %broadcast_in_dim3A_47 = vector.broadcast %broadcast_in_dim3A_46 : i32 to vector<16xi32>
    %swap3A_48 = arith.constant 109 : index
    %swap3A_49 = tpu.vector_load %arg6[%swap3A_48] {strides = array<i32>} : memref<125xi32, #tpu.memory_space<vmem>>, vector<16xi32>,
    %swap3A_50 = vector.shape_cast %swap3A_49 : vector<16xi32> to vector<16xi32>
    %swap3A_51 = vector.shape_cast %broadcast_in_dim3A_47 : vector<16xi32> to vector<16xi32>
    tpu.vector_store %arg6[%swap3A_48], %swap3A_51 {strides = array<i32>} : memref<125xi32, #tpu.memory_space<vmem>>, vector<16xi32>,
    %mul3A_52 = arith.constant 524288 : i32
    %mul3A_53 = arith.muli %add3A, %mul3A_52 : i32
    %add3A_54 = arith.constant 0 : i32
    %add3A_55 = arith.addi %mul3A_53, %add3A_54 : i32
    %dma_start3A = tpu.memref_slice %arg3[%add3A_55] : memref<16777216xi32, #tpu.memory_space<hbm>> -> memref<65536xi32, #tpu.memory_space<hbm>>
    %dma_start3A_56 = tpu.memref_slice %arg3[%add3A_55] : memref<16777216xi32, #tpu.memory_space<hbm>> -> memref<65536xi32, #tpu.memory_space<hbm>>
    tpu.enqueue_dma source(%arg4 : memref<65536xi32, #tpu.memory_space<vmem>>) target(%dma_start3A_56 : memref<65536xi32, #tpu.memory_space<hbm>>) target_semaphore(%arg7 : memref<!tpu.dma_semaphore, #tpu.memory_space<semaphore_mem>>)
    %mul3A_57 = arith.constant 524288 : i32
    %mul3A_58 = arith.muli %add3A, %mul3A_57 : i32
    %add3A_59 = arith.constant 65536 : i32
    %add3A_60 = arith.addi %mul3A_58, %add3A_59 : i32
    %dma_start3A_61 = tpu.memref_slice %arg3[%add3A_60] : memref<16777216xi32, #tpu.memory_space<hbm>> -> memref<65536xi32, #tpu.memory_space<hbm>>
    %dma_start3A_62 = tpu.memref_slice %arg3[%add3A_60] : memref<16777216xi32, #tpu.memory_space<hbm>> -> memref<65536xi32, #tpu.memory_space<hbm>>
    tpu.enqueue_dma source(%arg4 : memref<65536xi32, #tpu.memory_space<vmem>>) target(%dma_start3A_62 : memref<65536xi32, #tpu.memory_space<hbm>>) target_semaphore(%arg7 : memref<!tpu.dma_semaphore, #tpu.memory_space<semaphore_mem>>)
    %mul3A_63 = arith.constant 524288 : i32
    %mul3A_64 = arith.muli %add3A, %mul3A_63 : i32
    %add3A_65 = arith.constant 131072 : i32
    %add3A_66 = arith.addi %mul3A_64, %add3A_65 : i32
    %dma_start3A_67 = tpu.memref_slice %arg3[%add3A_66] : memref<16777216xi32, #tpu.memory_space<hbm>> -> memref<65536xi32, #tpu.memory_space<hbm>>
    %dma_start3A_68 = tpu.memref_slice %arg3[%add3A_66] : memref<16777216xi32, #tpu.memory_space<hbm>> -> memref<65536xi32, #tpu.memory_space<hbm>>
    tpu.enqueue_dma source(%arg4 : memref<65536xi32, #tpu.memory_space<vmem>>) target(%dma_start3A_68 : memref<65536xi32, #tpu.memory_space<hbm>>) target_semaphore(%arg7 : memref<!tpu.dma_semaphore, #tpu.memory_space<semaphore_mem>>)
    %mul3A_69 = arith.constant 524288 : i32
    %mul3A_70 = arith.muli %add3A, %mul3A_69 : i32
    %add3A_71 = arith.constant 196608 : i32
    %add3A_72 = arith.addi %mul3A_70, %add3A_71 : i32
    %dma_start3A_73 = tpu.memref_slice %arg3[%add3A_72] : memref<16777216xi32, #tpu.memory_space<hbm>> -> memref<65536xi32, #tpu.memory_space<hbm>>
    %dma_start3A_74 = tpu.memref_slice %arg3[%add3A_72] : memref<16777216xi32, #tpu.memory_space<hbm>> -> memref<65536xi32, #tpu.memory_space<hbm>>
    tpu.enqueue_dma source(%arg4 : memref<65536xi32, #tpu.memory_space<vmem>>) target(%dma_start3A_74 : memref<65536xi32, #tpu.memory_space<hbm>>) target_semaphore(%arg7 : memref<!tpu.dma_semaphore, #tpu.memory_space<semaphore_mem>>)
    %mul3A_75 = arith.constant 524288 : i32
    %mul3A_76 = arith.muli %add3A, %mul3A_75 : i32
    %add3A_77 = arith.constant 262144 : i32
    %add3A_78 = arith.addi %mul3A_76, %add3A_77 : i32
    %dma_start3A_79 = tpu.memref_slice %arg3[%add3A_78] : memref<16777216xi32, #tpu.memory_space<hbm>> -> memref<65536xi32, #tpu.memory_space<hbm>>
    %dma_start3A_80 = tpu.memref_slice %arg3[%add3A_78] : memref<16777216xi32, #tpu.memory_space<hbm>> -> memref<65536xi32, #tpu.memory_space<hbm>>
    tpu.enqueue_dma source(%arg4 : memref<65536xi32, #tpu.memory_space<vmem>>) target(%dma_start3A_80 : memref<65536xi32, #tpu.memory_space<hbm>>) target_semaphore(%arg7 : memref<!tpu.dma_semaphore, #tpu.memory_space<semaphore_mem>>)
    %mul3A_81 = arith.constant 524288 : i32
    %mul3A_82 = arith.muli %add3A, %mul3A_81 : i32
    %add3A_83 = arith.constant 327680 : i32
    %add3A_84 = arith.addi %mul3A_82, %add3A_83 : i32
    %dma_start3A_85 = tpu.memref_slice %arg3[%add3A_84] : memref<16777216xi32, #tpu.memory_space<hbm>> -> memref<65536xi32, #tpu.memory_space<hbm>>
    %dma_start3A_86 = tpu.memref_slice %arg3[%add3A_84] : memref<16777216xi32, #tpu.memory_space<hbm>> -> memref<65536xi32, #tpu.memory_space<hbm>>
    tpu.enqueue_dma source(%arg4 : memref<65536xi32, #tpu.memory_space<vmem>>) target(%dma_start3A_86 : memref<65536xi32, #tpu.memory_space<hbm>>) target_semaphore(%arg7 : memref<!tpu.dma_semaphore, #tpu.memory_space<semaphore_mem>>)
    %mul3A_87 = arith.constant 524288 : i32
    %mul3A_88 = arith.muli %add3A, %mul3A_87 : i32
    %add3A_89 = arith.constant 393216 : i32
    %add3A_90 = arith.addi %mul3A_88, %add3A_89 : i32
    %dma_start3A_91 = tpu.memref_slice %arg3[%add3A_90] : memref<16777216xi32, #tpu.memory_space<hbm>> -> memref<65536xi32, #tpu.memory_space<hbm>>
    %dma_start3A_92 = tpu.memref_slice %arg3[%add3A_90] : memref<16777216xi32, #tpu.memory_space<hbm>> -> memref<65536xi32, #tpu.memory_space<hbm>>
    tpu.enqueue_dma source(%arg4 : memref<65536xi32, #tpu.memory_space<vmem>>) target(%dma_start3A_92 : memref<65536xi32, #tpu.memory_space<hbm>>) target_semaphore(%arg7 : memref<!tpu.dma_semaphore, #tpu.memory_space<semaphore_mem>>)
    %mul3A_93 = arith.constant 524288 : i32
    %mul3A_94 = arith.muli %add3A, %mul3A_93 : i32
    %add3A_95 = arith.constant 458752 : i32
    %add3A_96 = arith.addi %mul3A_94, %add3A_95 : i32
    %dma_start3A_97 = tpu.memref_slice %arg3[%add3A_96] : memref<16777216xi32, #tpu.memory_space<hbm>> -> memref<65536xi32, #tpu.memory_space<hbm>>
    %dma_start3A_98 = tpu.memref_slice %arg3[%add3A_96] : memref<16777216xi32, #tpu.memory_space<hbm>> -> memref<65536xi32, #tpu.memory_space<hbm>>
    tpu.enqueue_dma source(%arg4 : memref<65536xi32, #tpu.memory_space<vmem>>) target(%dma_start3A_98 : memref<65536xi32, #tpu.memory_space<hbm>>) target_semaphore(%arg7 : memref<!tpu.dma_semaphore, #tpu.memory_space<semaphore_mem>>)
    %dma_wait3A = tpu.memref_slice %arg3[%add3A_55] : memref<16777216xi32, #tpu.memory_space<hbm>> -> memref<65536xi32, #tpu.memory_space<hbm>>
    %dma_wait3A_99 = tpu.memref_slice %arg3[%add3A_55] : memref<16777216xi32, #tpu.memory_space<hbm>> -> memref<65536xi32, #tpu.memory_space<hbm>>
    tpu.wait_dma2 semaphore(%arg7 : memref<!tpu.dma_semaphore, #tpu.memory_space<semaphore_mem>>) src(%arg4 : memref<65536xi32, #tpu.memory_space<vmem>>) dst(%dma_wait3A_99 : memref<65536xi32, #tpu.memory_space<hbm>>)
    %dma_wait3A_100 = tpu.memref_slice %arg3[%add3A_60] : memref<16777216xi32, #tpu.memory_space<hbm>> -> memref<65536xi32, #tpu.memory_space<hbm>>
    %dma_wait3A_101 = tpu.memref_slice %arg3[%add3A_60] : memref<16777216xi32, #tpu.memory_space<hbm>> -> memref<65536xi32, #tpu.memory_space<hbm>>
    tpu.wait_dma2 semaphore(%arg7 : memref<!tpu.dma_semaphore, #tpu.memory_space<semaphore_mem>>) src(%arg4 : memref<65536xi32, #tpu.memory_space<vmem>>) dst(%dma_wait3A_101 : memref<65536xi32, #tpu.memory_space<hbm>>)
    %dma_wait3A_102 = tpu.memref_slice %arg3[%add3A_66] : memref<16777216xi32, #tpu.memory_space<hbm>> -> memref<65536xi32, #tpu.memory_space<hbm>>
    %dma_wait3A_103 = tpu.memref_slice %arg3[%add3A_66] : memref<16777216xi32, #tpu.memory_space<hbm>> -> memref<65536xi32, #tpu.memory_space<hbm>>
    tpu.wait_dma2 semaphore(%arg7 : memref<!tpu.dma_semaphore, #tpu.memory_space<semaphore_mem>>) src(%arg4 : memref<65536xi32, #tpu.memory_space<vmem>>) dst(%dma_wait3A_103 : memref<65536xi32, #tpu.memory_space<hbm>>)
    %dma_wait3A_104 = tpu.memref_slice %arg3[%add3A_72] : memref<16777216xi32, #tpu.memory_space<hbm>> -> memref<65536xi32, #tpu.memory_space<hbm>>
    %dma_wait3A_105 = tpu.memref_slice %arg3[%add3A_72] : memref<16777216xi32, #tpu.memory_space<hbm>> -> memref<65536xi32, #tpu.memory_space<hbm>>
    tpu.wait_dma2 semaphore(%arg7 : memref<!tpu.dma_semaphore, #tpu.memory_space<semaphore_mem>>) src(%arg4 : memref<65536xi32, #tpu.memory_space<vmem>>) dst(%dma_wait3A_105 : memref<65536xi32, #tpu.memory_space<hbm>>)
    %dma_wait3A_106 = tpu.memref_slice %arg3[%add3A_78] : memref<16777216xi32, #tpu.memory_space<hbm>> -> memref<65536xi32, #tpu.memory_space<hbm>>
    %dma_wait3A_107 = tpu.memref_slice %arg3[%add3A_78] : memref<16777216xi32, #tpu.memory_space<hbm>> -> memref<65536xi32, #tpu.memory_space<hbm>>
    tpu.wait_dma2 semaphore(%arg7 : memref<!tpu.dma_semaphore, #tpu.memory_space<semaphore_mem>>) src(%arg4 : memref<65536xi32, #tpu.memory_space<vmem>>) dst(%dma_wait3A_107 : memref<65536xi32, #tpu.memory_space<hbm>>)
    %dma_wait3A_108 = tpu.memref_slice %arg3[%add3A_84] : memref<16777216xi32, #tpu.memory_space<hbm>> -> memref<65536xi32, #tpu.memory_space<hbm>>
    %dma_wait3A_109 = tpu.memref_slice %arg3[%add3A_84] : memref<16777216xi32, #tpu.memory_space<hbm>> -> memref<65536xi32, #tpu.memory_space<hbm>>
    tpu.wait_dma2 semaphore(%arg7 : memref<!tpu.dma_semaphore, #tpu.memory_space<semaphore_mem>>) src(%arg4 : memref<65536xi32, #tpu.memory_space<vmem>>) dst(%dma_wait3A_109 : memref<65536xi32, #tpu.memory_space<hbm>>)
    %dma_wait3A_110 = tpu.memref_slice %arg3[%add3A_90] : memref<16777216xi32, #tpu.memory_space<hbm>> -> memref<65536xi32, #tpu.memory_space<hbm>>
    %dma_wait3A_111 = tpu.memref_slice %arg3[%add3A_90] : memref<16777216xi32, #tpu.memory_space<hbm>> -> memref<65536xi32, #tpu.memory_space<hbm>>
    tpu.wait_dma2 semaphore(%arg7 : memref<!tpu.dma_semaphore, #tpu.memory_space<semaphore_mem>>) src(%arg4 : memref<65536xi32, #tpu.memory_space<vmem>>) dst(%dma_wait3A_111 : memref<65536xi32, #tpu.memory_space<hbm>>)
    %dma_wait3A_112 = tpu.memref_slice %arg3[%add3A_96] : memref<16777216xi32, #tpu.memory_space<hbm>> -> memref<65536xi32, #tpu.memory_space<hbm>>
    %dma_wait3A_113 = tpu.memref_slice %arg3[%add3A_96] : memref<16777216xi32, #tpu.memory_space<hbm>> -> memref<65536xi32, #tpu.memory_space<hbm>>
    tpu.wait_dma2 semaphore(%arg7 : memref<!tpu.dma_semaphore, #tpu.memory_space<semaphore_mem>>) src(%arg4 : memref<65536xi32, #tpu.memory_space<vmem>>) dst(%dma_wait3A_113 : memref<65536xi32, #tpu.memory_space<hbm>>)
    %barrier3A = arith.constant 0 : index
    tpu.barrier barrier_id(%barrier3A)
    %sub3A = arith.constant 1 : i32
    %sub3A_114 = arith.subi %sub3A, %arg0 : i32
    %semaphore_signal3A = arith.constant 1 : i32
    tpu.sem_signal %arg10, %semaphore_signal3A core_id %sub3A_114 : memref<!tpu.semaphore, #tpu.memory_space<semaphore_mem>>
    %semaphore_wait3A = arith.constant 1 : i32
    %semaphore_wait3A_115 = arith.constant true
    tpu.sem_wait %arg10, %semaphore_wait3A : memref<!tpu.semaphore, #tpu.memory_space<semaphore_mem>>
    %lt3A = arith.constant 16 : i32
    %lt3A_116 = arith.cmpi slt, %add3A, %lt3A : i32
    %jit3A = arith.constant 63 : i32
    %jit3A_117 = arith.constant 62 : i32
    %select_n3A = arith.select %lt3A_116, %jit3A, %jit3A_117 : i32
    %mul3A_118 = arith.constant 62 : i32
    %mul3A_119 = arith.muli %add3A, %mul3A_118 : i32
    %min3A = arith.constant 16 : i32
    %min3A_120 = arith.minsi %add3A, %min3A : i32
    %add3A_121 = arith.addi %mul3A_119, %min3A_120 : i32
    %mul3A_122 = arith.constant 8 : i32
    %mul3A_123 = arith.muli %add3A_121, %mul3A_122 : i32
    %add3A_124 = arith.constant 0 : i32
    %add3A_125 = arith.addi %mul3A_123, %add3A_124 : i32
    %dma_start3A_126 = arith.constant 0 : i32
    %dma_start3A_127 = arith.constant 0 : i32
    %dma_start3A_128 = arith.constant 0 : i32
    %dma_start3A_129 = arith.constant 0 : i32
    %dma_start3A_130 = tpu.memref_slice %arg5[%dma_start3A_126, %dma_start3A_128, %dma_start3A_129] : memref<3x8x125xi32, #tpu.memory_space<vmem>> -> memref<1x8x125xi32, #tpu.memory_space<vmem>>
    %dma_start3A_131 = tpu.memref_squeeze %dma_start3A_130 : memref<1x8x125xi32, #tpu.memory_space<vmem>> -> memref<8x125xi32, #tpu.memory_space<vmem>>
    %dma_start3A_132 = arith.constant 0 : i32
    %dma_start3A_133 = tpu.memref_slice %arg2[%add3A_125, %dma_start3A_132] : memref<16000x125xi32, #tpu.memory_space<hbm>> -> memref<8x125xi32, #tpu.memory_space<hbm>>
    %dma_start3A_134 = tpu.memref_slice %arg8[%dma_start3A_127] : memref<3x!tpu.dma_semaphore, #tpu.memory_space<semaphore_mem>> -> memref<1x!tpu.dma_semaphore, #tpu.memory_space<semaphore_mem>>
    %dma_start3A_135 = tpu.memref_squeeze %dma_start3A_134 : memref<1x!tpu.dma_semaphore, #tpu.memory_space<semaphore_mem>> -> memref<!tpu.dma_semaphore, #tpu.memory_space<semaphore_mem>>
    %dma_start3A_136 = arith.constant 0 : i32
    %dma_start3A_137 = arith.constant 0 : i32
    %dma_start3A_138 = tpu.memref_slice %arg5[%dma_start3A_126, %dma_start3A_136, %dma_start3A_137] : memref<3x8x125xi32, #tpu.memory_space<vmem>> -> memref<1x8x125xi32, #tpu.memory_space<vmem>>
    %dma_start3A_139 = tpu.memref_squeeze %dma_start3A_138 : memref<1x8x125xi32, #tpu.memory_space<vmem>> -> memref<8x125xi32, #tpu.memory_space<vmem>>
    %dma_start3A_140 = arith.constant 0 : i32
    %dma_start3A_141 = tpu.memref_slice %arg2[%add3A_125, %dma_start3A_140] : memref<16000x125xi32, #tpu.memory_space<hbm>> -> memref<8x125xi32, #tpu.memory_space<hbm>>
    tpu.enqueue_dma source(%dma_start3A_141 : memref<8x125xi32, #tpu.memory_space<hbm>>) target(%dma_start3A_139 : memref<8x125xi32, #tpu.memory_space<vmem>>) target_semaphore(%dma_start3A_135 : memref<!tpu.dma_semaphore, #tpu.memory_space<semaphore_mem>>)
    %scan3A_142 = arith.constant 0 : i32
    %scan3A_143 = arith.constant 0 : i32
    %scan3A_144 = arith.constant 63 : i32
    %scan3A_145 = arith.addi %scan3A_143, %scan3A_144 : i32
    %scan3A_146 = arith.constant 1 : i32
    scf.for %scan3A_388 = %scan3A_143 to %scan3A_145 step %scan3A_146  : i32 {
      %lt3A_389 = arith.cmpi slt, %scan3A_388, %select_n3A : i32
      %convert_element_type3A = arith.extui %lt3A_389 : i1 to i32
      %cond3A = arith.constant 0 : i32
      %cond3A_390 = arith.cmpi ne, %convert_element_type3A, %cond3A : i32
      scf.if %cond3A_390 {
        %rem3A = arith.constant 3 : i32
        %rem3A_391 = arith.remsi %scan3A_388, %rem3A : i32
        %add3A_392 = arith.constant 1 : i32
        %add3A_393 = arith.addi %scan3A_388, %add3A_392 : i32
        %rem3A_394 = arith.constant 3 : i32
        %rem3A_395 = arith.remsi %add3A_393, %rem3A_394 : i32
        %dma_wait3A_396 = arith.constant 0 : i32
        %dma_wait3A_397 = arith.constant 0 : i32
        %dma_wait3A_398 = tpu.memref_slice %arg5[%rem3A_391, %dma_wait3A_396, %dma_wait3A_397] : memref<3x8x125xi32, #tpu.memory_space<vmem>> -> memref<1x8x125xi32, #tpu.memory_space<vmem>>
        %dma_wait3A_399 = tpu.memref_squeeze %dma_wait3A_398 : memref<1x8x125xi32, #tpu.memory_space<vmem>> -> memref<8x125xi32, #tpu.memory_space<vmem>>
        %dma_wait3A_400 = arith.constant 0 : i32
        %dma_wait3A_401 = arith.constant 0 : i32
        %dma_wait3A_402 = tpu.memref_slice %arg2[%dma_wait3A_400, %dma_wait3A_401] : memref<16000x125xi32, #tpu.memory_space<hbm>> -> memref<8x125xi32, #tpu.memory_space<hbm>>
        %dma_wait3A_403 = tpu.memref_slice %arg8[%rem3A_391] : memref<3x!tpu.dma_semaphore, #tpu.memory_space<semaphore_mem>> -> memref<1x!tpu.dma_semaphore, #tpu.memory_space<semaphore_mem>>
        %dma_wait3A_404 = tpu.memref_squeeze %dma_wait3A_403 : memref<1x!tpu.dma_semaphore, #tpu.memory_space<semaphore_mem>> -> memref<!tpu.dma_semaphore, #tpu.memory_space<semaphore_mem>>
        %dma_wait3A_405 = arith.constant 0 : i32
        %dma_wait3A_406 = arith.constant 0 : i32
        %dma_wait3A_407 = tpu.memref_slice %arg5[%rem3A_391, %dma_wait3A_405, %dma_wait3A_406] : memref<3x8x125xi32, #tpu.memory_space<vmem>> -> memref<1x8x125xi32, #tpu.memory_space<vmem>>
        %dma_wait3A_408 = tpu.memref_squeeze %dma_wait3A_407 : memref<1x8x125xi32, #tpu.memory_space<vmem>> -> memref<8x125xi32, #tpu.memory_space<vmem>>
        %dma_wait3A_409 = arith.constant 0 : i32
        %dma_wait3A_410 = arith.constant 0 : i32
        %dma_wait3A_411 = tpu.memref_slice %arg2[%dma_wait3A_409, %dma_wait3A_410] : memref<16000x125xi32, #tpu.memory_space<hbm>> -> memref<8x125xi32, #tpu.memory_space<hbm>>
        tpu.wait_dma2 semaphore(%dma_wait3A_404 : memref<!tpu.dma_semaphore, #tpu.memory_space<semaphore_mem>>) src(%dma_wait3A_411 : memref<8x125xi32, #tpu.memory_space<hbm>>) dst(%dma_wait3A_408 : memref<8x125xi32, #tpu.memory_space<vmem>>)
        %dma_start3A_412 = arith.constant 0 : i32
        %dma_start3A_413 = arith.constant 0 : i32
        %dma_start3A_414 = tpu.memref_slice %arg5[%rem3A_391, %dma_start3A_412, %dma_start3A_413] : memref<3x8x125xi32, #tpu.memory_space<vmem>> -> memref<1x1x125xi32, #tpu.memory_space<vmem>>
        %dma_start3A_415 = tpu.memref_squeeze %dma_start3A_414 : memref<1x1x125xi32, #tpu.memory_space<vmem>> -> memref<125xi32, #tpu.memory_space<vmem>>
        %dma_start3A_416 = arith.constant 0 : i32
        %dma_start3A_417 = tpu.memref_slice %arg3[%dma_start3A_416] : memref<16777216xi32, #tpu.memory_space<hbm>> -> memref<16777216xi32, #tpu.memory_space<hbm>>
        %dma_start3A_418 = tpu.memref_slice %arg9[%rem3A_391] : memref<3x!tpu.dma_semaphore, #tpu.memory_space<semaphore_mem>> -> memref<1x!tpu.dma_semaphore, #tpu.memory_space<semaphore_mem>>
        %dma_start3A_419 = tpu.memref_squeeze %dma_start3A_418 : memref<1x!tpu.dma_semaphore, #tpu.memory_space<semaphore_mem>> -> memref<!tpu.dma_semaphore, #tpu.memory_space<semaphore_mem>>
        tpu.enqueue_indirect_dma source(%arg6 : memref<125xi32, #tpu.memory_space<vmem>>) target(%dma_start3A_417 : memref<16777216xi32, #tpu.memory_space<hbm>>) offsets(%dma_start3A_415 : memref<125xi32, #tpu.memory_space<vmem>>) semaphore(%dma_start3A_419 : memref<!tpu.dma_semaphore, #tpu.memory_space<semaphore_mem>>)
        %dma_start3A_420 = arith.constant 1 : i32
        %dma_start3A_421 = arith.constant 0 : i32
        %dma_start3A_422 = tpu.memref_slice %arg5[%rem3A_391, %dma_start3A_420, %dma_start3A_421] : memref<3x8x125xi32, #tpu.memory_space<vmem>> -> memref<1x1x125xi32, #tpu.memory_space<vmem>>
        %dma_start3A_423 = tpu.memref_squeeze %dma_start3A_422 : memref<1x1x125xi32, #tpu.memory_space<vmem>> -> memref<125xi32, #tpu.memory_space<vmem>>
        %dma_start3A_424 = arith.constant 0 : i32
        %dma_start3A_425 = tpu.memref_slice %arg3[%dma_start3A_424] : memref<16777216xi32, #tpu.memory_space<hbm>> -> memref<16777216xi32, #tpu.memory_space<hbm>>
        %dma_start3A_426 = tpu.memref_slice %arg9[%rem3A_391] : memref<3x!tpu.dma_semaphore, #tpu.memory_space<semaphore_mem>> -> memref<1x!tpu.dma_semaphore, #tpu.memory_space<semaphore_mem>>
        %dma_start3A_427 = tpu.memref_squeeze %dma_start3A_426 : memref<1x!tpu.dma_semaphore, #tpu.memory_space<semaphore_mem>> -> memref<!tpu.dma_semaphore, #tpu.memory_space<semaphore_mem>>
        tpu.enqueue_indirect_dma source(%arg6 : memref<125xi32, #tpu.memory_space<vmem>>) target(%dma_start3A_425 : memref<16777216xi32, #tpu.memory_space<hbm>>) offsets(%dma_start3A_423 : memref<125xi32, #tpu.memory_space<vmem>>) semaphore(%dma_start3A_427 : memref<!tpu.dma_semaphore, #tpu.memory_space<semaphore_mem>>)
        %dma_start3A_428 = arith.constant 2 : i32
        %dma_start3A_429 = arith.constant 0 : i32
        %dma_start3A_430 = tpu.memref_slice %arg5[%rem3A_391, %dma_start3A_428, %dma_start3A_429] : memref<3x8x125xi32, #tpu.memory_space<vmem>> -> memref<1x1x125xi32, #tpu.memory_space<vmem>>
        %dma_start3A_431 = tpu.memref_squeeze %dma_start3A_430 : memref<1x1x125xi32, #tpu.memory_space<vmem>> -> memref<125xi32, #tpu.memory_space<vmem>>
        %dma_start3A_432 = arith.constant 0 : i32
        %dma_start3A_433 = tpu.memref_slice %arg3[%dma_start3A_432] : memref<16777216xi32, #tpu.memory_space<hbm>> -> memref<16777216xi32, #tpu.memory_space<hbm>>
        %dma_start3A_434 = tpu.memref_slice %arg9[%rem3A_391] : memref<3x!tpu.dma_semaphore, #tpu.memory_space<semaphore_mem>> -> memref<1x!tpu.dma_semaphore, #tpu.memory_space<semaphore_mem>>
        %dma_start3A_435 = tpu.memref_squeeze %dma_start3A_434 : memref<1x!tpu.dma_semaphore, #tpu.memory_space<semaphore_mem>> -> memref<!tpu.dma_semaphore, #tpu.memory_space<semaphore_mem>>
        tpu.enqueue_indirect_dma source(%arg6 : memref<125xi32, #tpu.memory_space<vmem>>) target(%dma_start3A_433 : memref<16777216xi32, #tpu.memory_space<hbm>>) offsets(%dma_start3A_431 : memref<125xi32, #tpu.memory_space<vmem>>) semaphore(%dma_start3A_435 : memref<!tpu.dma_semaphore, #tpu.memory_space<semaphore_mem>>)
        %dma_start3A_436 = arith.constant 3 : i32
        %dma_start3A_437 = arith.constant 0 : i32
        %dma_start3A_438 = tpu.memref_slice %arg5[%rem3A_391, %dma_start3A_436, %dma_start3A_437] : memref<3x8x125xi32, #tpu.memory_space<vmem>> -> memref<1x1x125xi32, #tpu.memory_space<vmem>>
        %dma_start3A_439 = tpu.memref_squeeze %dma_start3A_438 : memref<1x1x125xi32, #tpu.memory_space<vmem>> -> memref<125xi32, #tpu.memory_space<vmem>>
        %dma_start3A_440 = arith.constant 0 : i32
        %dma_start3A_441 = tpu.memref_slice %arg3[%dma_start3A_440] : memref<16777216xi32, #tpu.memory_space<hbm>> -> memref<16777216xi32, #tpu.memory_space<hbm>>
        %dma_start3A_442 = tpu.memref_slice %arg9[%rem3A_391] : memref<3x!tpu.dma_semaphore, #tpu.memory_space<semaphore_mem>> -> memref<1x!tpu.dma_semaphore, #tpu.memory_space<semaphore_mem>>
        %dma_start3A_443 = tpu.memref_squeeze %dma_start3A_442 : memref<1x!tpu.dma_semaphore, #tpu.memory_space<semaphore_mem>> -> memref<!tpu.dma_semaphore, #tpu.memory_space<semaphore_mem>>
        tpu.enqueue_indirect_dma source(%arg6 : memref<125xi32, #tpu.memory_space<vmem>>) target(%dma_start3A_441 : memref<16777216xi32, #tpu.memory_space<hbm>>) offsets(%dma_start3A_439 : memref<125xi32, #tpu.memory_space<vmem>>) semaphore(%dma_start3A_443 : memref<!tpu.dma_semaphore, #tpu.memory_space<semaphore_mem>>)
        %dma_start3A_444 = arith.constant 4 : i32
        %dma_start3A_445 = arith.constant 0 : i32
        %dma_start3A_446 = tpu.memref_slice %arg5[%rem3A_391, %dma_start3A_444, %dma_start3A_445] : memref<3x8x125xi32, #tpu.memory_space<vmem>> -> memref<1x1x125xi32, #tpu.memory_space<vmem>>
        %dma_start3A_447 = tpu.memref_squeeze %dma_start3A_446 : memref<1x1x125xi32, #tpu.memory_space<vmem>> -> memref<125xi32, #tpu.memory_space<vmem>>
        %dma_start3A_448 = arith.constant 0 : i32
        %dma_start3A_449 = tpu.memref_slice %arg3[%dma_start3A_448] : memref<16777216xi32, #tpu.memory_space<hbm>> -> memref<16777216xi32, #tpu.memory_space<hbm>>
        %dma_start3A_450 = tpu.memref_slice %arg9[%rem3A_391] : memref<3x!tpu.dma_semaphore, #tpu.memory_space<semaphore_mem>> -> memref<1x!tpu.dma_semaphore, #tpu.memory_space<semaphore_mem>>
        %dma_start3A_451 = tpu.memref_squeeze %dma_start3A_450 : memref<1x!tpu.dma_semaphore, #tpu.memory_space<semaphore_mem>> -> memref<!tpu.dma_semaphore, #tpu.memory_space<semaphore_mem>>
        tpu.enqueue_indirect_dma source(%arg6 : memref<125xi32, #tpu.memory_space<vmem>>) target(%dma_start3A_449 : memref<16777216xi32, #tpu.memory_space<hbm>>) offsets(%dma_start3A_447 : memref<125xi32, #tpu.memory_space<vmem>>) semaphore(%dma_start3A_451 : memref<!tpu.dma_semaphore, #tpu.memory_space<semaphore_mem>>)
        %dma_start3A_452 = arith.constant 5 : i32
        %dma_start3A_453 = arith.constant 0 : i32
        %dma_start3A_454 = tpu.memref_slice %arg5[%rem3A_391, %dma_start3A_452, %dma_start3A_453] : memref<3x8x125xi32, #tpu.memory_space<vmem>> -> memref<1x1x125xi32, #tpu.memory_space<vmem>>
        %dma_start3A_455 = tpu.memref_squeeze %dma_start3A_454 : memref<1x1x125xi32, #tpu.memory_space<vmem>> -> memref<125xi32, #tpu.memory_space<vmem>>
        %dma_start3A_456 = arith.constant 0 : i32
        %dma_start3A_457 = tpu.memref_slice %arg3[%dma_start3A_456] : memref<16777216xi32, #tpu.memory_space<hbm>> -> memref<16777216xi32, #tpu.memory_space<hbm>>
        %dma_start3A_458 = tpu.memref_slice %arg9[%rem3A_391] : memref<3x!tpu.dma_semaphore, #tpu.memory_space<semaphore_mem>> -> memref<1x!tpu.dma_semaphore, #tpu.memory_space<semaphore_mem>>
        %dma_start3A_459 = tpu.memref_squeeze %dma_start3A_458 : memref<1x!tpu.dma_semaphore, #tpu.memory_space<semaphore_mem>> -> memref<!tpu.dma_semaphore, #tpu.memory_space<semaphore_mem>>
        tpu.enqueue_indirect_dma source(%arg6 : memref<125xi32, #tpu.memory_space<vmem>>) target(%dma_start3A_457 : memref<16777216xi32, #tpu.memory_space<hbm>>) offsets(%dma_start3A_455 : memref<125xi32, #tpu.memory_space<vmem>>) semaphore(%dma_start3A_459 : memref<!tpu.dma_semaphore, #tpu.memory_space<semaphore_mem>>)
        %dma_start3A_460 = arith.constant 6 : i32
        %dma_start3A_461 = arith.constant 0 : i32
        %dma_start3A_462 = tpu.memref_slice %arg5[%rem3A_391, %dma_start3A_460, %dma_start3A_461] : memref<3x8x125xi32, #tpu.memory_space<vmem>> -> memref<1x1x125xi32, #tpu.memory_space<vmem>>
        %dma_start3A_463 = tpu.memref_squeeze %dma_start3A_462 : memref<1x1x125xi32, #tpu.memory_space<vmem>> -> memref<125xi32, #tpu.memory_space<vmem>>
        %dma_start3A_464 = arith.constant 0 : i32
        %dma_start3A_465 = tpu.memref_slice %arg3[%dma_start3A_464] : memref<16777216xi32, #tpu.memory_space<hbm>> -> memref<16777216xi32, #tpu.memory_space<hbm>>
        %dma_start3A_466 = tpu.memref_slice %arg9[%rem3A_391] : memref<3x!tpu.dma_semaphore, #tpu.memory_space<semaphore_mem>> -> memref<1x!tpu.dma_semaphore, #tpu.memory_space<semaphore_mem>>
        %dma_start3A_467 = tpu.memref_squeeze %dma_start3A_466 : memref<1x!tpu.dma_semaphore, #tpu.memory_space<semaphore_mem>> -> memref<!tpu.dma_semaphore, #tpu.memory_space<semaphore_mem>>
        tpu.enqueue_indirect_dma source(%arg6 : memref<125xi32, #tpu.memory_space<vmem>>) target(%dma_start3A_465 : memref<16777216xi32, #tpu.memory_space<hbm>>) offsets(%dma_start3A_463 : memref<125xi32, #tpu.memory_space<vmem>>) semaphore(%dma_start3A_467 : memref<!tpu.dma_semaphore, #tpu.memory_space<semaphore_mem>>)
        %dma_start3A_468 = arith.constant 7 : i32
        %dma_start3A_469 = arith.constant 0 : i32
        %dma_start3A_470 = tpu.memref_slice %arg5[%rem3A_391, %dma_start3A_468, %dma_start3A_469] : memref<3x8x125xi32, #tpu.memory_space<vmem>> -> memref<1x1x125xi32, #tpu.memory_space<vmem>>
        %dma_start3A_471 = tpu.memref_squeeze %dma_start3A_470 : memref<1x1x125xi32, #tpu.memory_space<vmem>> -> memref<125xi32, #tpu.memory_space<vmem>>
        %dma_start3A_472 = arith.constant 0 : i32
        %dma_start3A_473 = tpu.memref_slice %arg3[%dma_start3A_472] : memref<16777216xi32, #tpu.memory_space<hbm>> -> memref<16777216xi32, #tpu.memory_space<hbm>>
        %dma_start3A_474 = tpu.memref_slice %arg9[%rem3A_391] : memref<3x!tpu.dma_semaphore, #tpu.memory_space<semaphore_mem>> -> memref<1x!tpu.dma_semaphore, #tpu.memory_space<semaphore_mem>>
        %dma_start3A_475 = tpu.memref_squeeze %dma_start3A_474 : memref<1x!tpu.dma_semaphore, #tpu.memory_space<semaphore_mem>> -> memref<!tpu.dma_semaphore, #tpu.memory_space<semaphore_mem>>
        tpu.enqueue_indirect_dma source(%arg6 : memref<125xi32, #tpu.memory_space<vmem>>) target(%dma_start3A_473 : memref<16777216xi32, #tpu.memory_space<hbm>>) offsets(%dma_start3A_471 : memref<125xi32, #tpu.memory_space<vmem>>) semaphore(%dma_start3A_475 : memref<!tpu.dma_semaphore, #tpu.memory_space<semaphore_mem>>)
        %add3A_476 = arith.constant 1 : i32
        %add3A_477 = arith.addi %scan3A_388, %add3A_476 : i32
        %lt3A_478 = arith.cmpi slt, %add3A_477, %select_n3A : i32
        %convert_element_type3A_479 = arith.extui %lt3A_478 : i1 to i32
        %cond3A_480 = arith.constant 0 : i32
        %cond3A_481 = arith.cmpi ne, %convert_element_type3A_479, %cond3A_480 : i32
        scf.if %cond3A_481 {
          %add3A_482 = arith.constant 1 : i32
          %add3A_483 = arith.addi %scan3A_388, %add3A_482 : i32
          %ge3A = arith.constant 3 : i32
          %ge3A_484 = arith.cmpi sge, %add3A_483, %ge3A : i32
          %convert_element_type3A_485 = arith.extui %ge3A_484 : i1 to i32
          %cond3A_486 = arith.constant 0 : i32
          %cond3A_487 = arith.cmpi ne, %convert_element_type3A_485, %cond3A_486 : i32
          scf.if %cond3A_487 {
            %dma_wait3A_507 = arith.constant 0 : i32
            %dma_wait3A_508 = arith.constant 0 : i32
            %dma_wait3A_509 = tpu.memref_slice %arg5[%rem3A_395, %dma_wait3A_507, %dma_wait3A_508] : memref<3x8x125xi32, #tpu.memory_space<vmem>> -> memref<1x1x125xi32, #tpu.memory_space<vmem>>
            %dma_wait3A_510 = tpu.memref_squeeze %dma_wait3A_509 : memref<1x1x125xi32, #tpu.memory_space<vmem>> -> memref<125xi32, #tpu.memory_space<vmem>>
            %dma_wait3A_511 = arith.constant 0 : i32
            %dma_wait3A_512 = tpu.memref_slice %arg3[%dma_wait3A_511] : memref<16777216xi32, #tpu.memory_space<hbm>> -> memref<16777216xi32, #tpu.memory_space<hbm>>
            %dma_wait3A_513 = tpu.memref_slice %arg9[%rem3A_395] : memref<3x!tpu.dma_semaphore, #tpu.memory_space<semaphore_mem>> -> memref<1x!tpu.dma_semaphore, #tpu.memory_space<semaphore_mem>>
            %dma_wait3A_514 = tpu.memref_squeeze %dma_wait3A_513 : memref<1x!tpu.dma_semaphore, #tpu.memory_space<semaphore_mem>> -> memref<!tpu.dma_semaphore, #tpu.memory_space<semaphore_mem>>
            tpu.wait_indirect_dma semaphore(%dma_wait3A_514 : memref<!tpu.dma_semaphore, #tpu.memory_space<semaphore_mem>>) src(%arg6 : memref<125xi32, #tpu.memory_space<vmem>>) dst(%dma_wait3A_512 : memref<16777216xi32, #tpu.memory_space<hbm>>)
            %dma_wait3A_515 = arith.constant 1 : i32
            %dma_wait3A_516 = arith.constant 0 : i32
            %dma_wait3A_517 = tpu.memref_slice %arg5[%rem3A_395, %dma_wait3A_515, %dma_wait3A_516] : memref<3x8x125xi32, #tpu.memory_space<vmem>> -> memref<1x1x125xi32, #tpu.memory_space<vmem>>
            %dma_wait3A_518 = tpu.memref_squeeze %dma_wait3A_517 : memref<1x1x125xi32, #tpu.memory_space<vmem>> -> memref<125xi32, #tpu.memory_space<vmem>>
            %dma_wait3A_519 = arith.constant 0 : i32
            %dma_wait3A_520 = tpu.memref_slice %arg3[%dma_wait3A_519] : memref<16777216xi32, #tpu.memory_space<hbm>> -> memref<16777216xi32, #tpu.memory_space<hbm>>
            %dma_wait3A_521 = tpu.memref_slice %arg9[%rem3A_395] : memref<3x!tpu.dma_semaphore, #tpu.memory_space<semaphore_mem>> -> memref<1x!tpu.dma_semaphore, #tpu.memory_space<semaphore_mem>>
            %dma_wait3A_522 = tpu.memref_squeeze %dma_wait3A_521 : memref<1x!tpu.dma_semaphore, #tpu.memory_space<semaphore_mem>> -> memref<!tpu.dma_semaphore, #tpu.memory_space<semaphore_mem>>
            tpu.wait_indirect_dma semaphore(%dma_wait3A_522 : memref<!tpu.dma_semaphore, #tpu.memory_space<semaphore_mem>>) src(%arg6 : memref<125xi32, #tpu.memory_space<vmem>>) dst(%dma_wait3A_520 : memref<16777216xi32, #tpu.memory_space<hbm>>)
            %dma_wait3A_523 = arith.constant 2 : i32
            %dma_wait3A_524 = arith.constant 0 : i32
            %dma_wait3A_525 = tpu.memref_slice %arg5[%rem3A_395, %dma_wait3A_523, %dma_wait3A_524] : memref<3x8x125xi32, #tpu.memory_space<vmem>> -> memref<1x1x125xi32, #tpu.memory_space<vmem>>
            %dma_wait3A_526 = tpu.memref_squeeze %dma_wait3A_525 : memref<1x1x125xi32, #tpu.memory_space<vmem>> -> memref<125xi32, #tpu.memory_space<vmem>>
            %dma_wait3A_527 = arith.constant 0 : i32
            %dma_wait3A_528 = tpu.memref_slice %arg3[%dma_wait3A_527] : memref<16777216xi32, #tpu.memory_space<hbm>> -> memref<16777216xi32, #tpu.memory_space<hbm>>
            %dma_wait3A_529 = tpu.memref_slice %arg9[%rem3A_395] : memref<3x!tpu.dma_semaphore, #tpu.memory_space<semaphore_mem>> -> memref<1x!tpu.dma_semaphore, #tpu.memory_space<semaphore_mem>>
            %dma_wait3A_530 = tpu.memref_squeeze %dma_wait3A_529 : memref<1x!tpu.dma_semaphore, #tpu.memory_space<semaphore_mem>> -> memref<!tpu.dma_semaphore, #tpu.memory_space<semaphore_mem>>
            tpu.wait_indirect_dma semaphore(%dma_wait3A_530 : memref<!tpu.dma_semaphore, #tpu.memory_space<semaphore_mem>>) src(%arg6 : memref<125xi32, #tpu.memory_space<vmem>>) dst(%dma_wait3A_528 : memref<16777216xi32, #tpu.memory_space<hbm>>)
            %dma_wait3A_531 = arith.constant 3 : i32
            %dma_wait3A_532 = arith.constant 0 : i32
            %dma_wait3A_533 = tpu.memref_slice %arg5[%rem3A_395, %dma_wait3A_531, %dma_wait3A_532] : memref<3x8x125xi32, #tpu.memory_space<vmem>> -> memref<1x1x125xi32, #tpu.memory_space<vmem>>
            %dma_wait3A_534 = tpu.memref_squeeze %dma_wait3A_533 : memref<1x1x125xi32, #tpu.memory_space<vmem>> -> memref<125xi32, #tpu.memory_space<vmem>>
            %dma_wait3A_535 = arith.constant 0 : i32
            %dma_wait3A_536 = tpu.memref_slice %arg3[%dma_wait3A_535] : memref<16777216xi32, #tpu.memory_space<hbm>> -> memref<16777216xi32, #tpu.memory_space<hbm>>
            %dma_wait3A_537 = tpu.memref_slice %arg9[%rem3A_395] : memref<3x!tpu.dma_semaphore, #tpu.memory_space<semaphore_mem>> -> memref<1x!tpu.dma_semaphore, #tpu.memory_space<semaphore_mem>>
            %dma_wait3A_538 = tpu.memref_squeeze %dma_wait3A_537 : memref<1x!tpu.dma_semaphore, #tpu.memory_space<semaphore_mem>> -> memref<!tpu.dma_semaphore, #tpu.memory_space<semaphore_mem>>
            tpu.wait_indirect_dma semaphore(%dma_wait3A_538 : memref<!tpu.dma_semaphore, #tpu.memory_space<semaphore_mem>>) src(%arg6 : memref<125xi32, #tpu.memory_space<vmem>>) dst(%dma_wait3A_536 : memref<16777216xi32, #tpu.memory_space<hbm>>)
            %dma_wait3A_539 = arith.constant 4 : i32
            %dma_wait3A_540 = arith.constant 0 : i32
            %dma_wait3A_541 = tpu.memref_slice %arg5[%rem3A_395, %dma_wait3A_539, %dma_wait3A_540] : memref<3x8x125xi32, #tpu.memory_space<vmem>> -> memref<1x1x125xi32, #tpu.memory_space<vmem>>
            %dma_wait3A_542 = tpu.memref_squeeze %dma_wait3A_541 : memref<1x1x125xi32, #tpu.memory_space<vmem>> -> memref<125xi32, #tpu.memory_space<vmem>>
            %dma_wait3A_543 = arith.constant 0 : i32
            %dma_wait3A_544 = tpu.memref_slice %arg3[%dma_wait3A_543] : memref<16777216xi32, #tpu.memory_space<hbm>> -> memref<16777216xi32, #tpu.memory_space<hbm>>
            %dma_wait3A_545 = tpu.memref_slice %arg9[%rem3A_395] : memref<3x!tpu.dma_semaphore, #tpu.memory_space<semaphore_mem>> -> memref<1x!tpu.dma_semaphore, #tpu.memory_space<semaphore_mem>>
            %dma_wait3A_546 = tpu.memref_squeeze %dma_wait3A_545 : memref<1x!tpu.dma_semaphore, #tpu.memory_space<semaphore_mem>> -> memref<!tpu.dma_semaphore, #tpu.memory_space<semaphore_mem>>
            tpu.wait_indirect_dma semaphore(%dma_wait3A_546 : memref<!tpu.dma_semaphore, #tpu.memory_space<semaphore_mem>>) src(%arg6 : memref<125xi32, #tpu.memory_space<vmem>>) dst(%dma_wait3A_544 : memref<16777216xi32, #tpu.memory_space<hbm>>)
            %dma_wait3A_547 = arith.constant 5 : i32
            %dma_wait3A_548 = arith.constant 0 : i32
            %dma_wait3A_549 = tpu.memref_slice %arg5[%rem3A_395, %dma_wait3A_547, %dma_wait3A_548] : memref<3x8x125xi32, #tpu.memory_space<vmem>> -> memref<1x1x125xi32, #tpu.memory_space<vmem>>
            %dma_wait3A_550 = tpu.memref_squeeze %dma_wait3A_549 : memref<1x1x125xi32, #tpu.memory_space<vmem>> -> memref<125xi32, #tpu.memory_space<vmem>>
            %dma_wait3A_551 = arith.constant 0 : i32
            %dma_wait3A_552 = tpu.memref_slice %arg3[%dma_wait3A_551] : memref<16777216xi32, #tpu.memory_space<hbm>> -> memref<16777216xi32, #tpu.memory_space<hbm>>
            %dma_wait3A_553 = tpu.memref_slice %arg9[%rem3A_395] : memref<3x!tpu.dma_semaphore, #tpu.memory_space<semaphore_mem>> -> memref<1x!tpu.dma_semaphore, #tpu.memory_space<semaphore_mem>>
            %dma_wait3A_554 = tpu.memref_squeeze %dma_wait3A_553 : memref<1x!tpu.dma_semaphore, #tpu.memory_space<semaphore_mem>> -> memref<!tpu.dma_semaphore, #tpu.memory_space<semaphore_mem>>
            tpu.wait_indirect_dma semaphore(%dma_wait3A_554 : memref<!tpu.dma_semaphore, #tpu.memory_space<semaphore_mem>>) src(%arg6 : memref<125xi32, #tpu.memory_space<vmem>>) dst(%dma_wait3A_552 : memref<16777216xi32, #tpu.memory_space<hbm>>)
            %dma_wait3A_555 = arith.constant 6 : i32
            %dma_wait3A_556 = arith.constant 0 : i32
            %dma_wait3A_557 = tpu.memref_slice %arg5[%rem3A_395, %dma_wait3A_555, %dma_wait3A_556] : memref<3x8x125xi32, #tpu.memory_space<vmem>> -> memref<1x1x125xi32, #tpu.memory_space<vmem>>
            %dma_wait3A_558 = tpu.memref_squeeze %dma_wait3A_557 : memref<1x1x125xi32, #tpu.memory_space<vmem>> -> memref<125xi32, #tpu.memory_space<vmem>>
            %dma_wait3A_559 = arith.constant 0 : i32
            %dma_wait3A_560 = tpu.memref_slice %arg3[%dma_wait3A_559] : memref<16777216xi32, #tpu.memory_space<hbm>> -> memref<16777216xi32, #tpu.memory_space<hbm>>
            %dma_wait3A_561 = tpu.memref_slice %arg9[%rem3A_395] : memref<3x!tpu.dma_semaphore, #tpu.memory_space<semaphore_mem>> -> memref<1x!tpu.dma_semaphore, #tpu.memory_space<semaphore_mem>>
            %dma_wait3A_562 = tpu.memref_squeeze %dma_wait3A_561 : memref<1x!tpu.dma_semaphore, #tpu.memory_space<semaphore_mem>> -> memref<!tpu.dma_semaphore, #tpu.memory_space<semaphore_mem>>
            tpu.wait_indirect_dma semaphore(%dma_wait3A_562 : memref<!tpu.dma_semaphore, #tpu.memory_space<semaphore_mem>>) src(%arg6 : memref<125xi32, #tpu.memory_space<vmem>>) dst(%dma_wait3A_560 : memref<16777216xi32, #tpu.memory_space<hbm>>)
            %dma_wait3A_563 = arith.constant 7 : i32
            %dma_wait3A_564 = arith.constant 0 : i32
            %dma_wait3A_565 = tpu.memref_slice %arg5[%rem3A_395, %dma_wait3A_563, %dma_wait3A_564] : memref<3x8x125xi32, #tpu.memory_space<vmem>> -> memref<1x1x125xi32, #tpu.memory_space<vmem>>
            %dma_wait3A_566 = tpu.memref_squeeze %dma_wait3A_565 : memref<1x1x125xi32, #tpu.memory_space<vmem>> -> memref<125xi32, #tpu.memory_space<vmem>>
            %dma_wait3A_567 = arith.constant 0 : i32
            %dma_wait3A_568 = tpu.memref_slice %arg3[%dma_wait3A_567] : memref<16777216xi32, #tpu.memory_space<hbm>> -> memref<16777216xi32, #tpu.memory_space<hbm>>
            %dma_wait3A_569 = tpu.memref_slice %arg9[%rem3A_395] : memref<3x!tpu.dma_semaphore, #tpu.memory_space<semaphore_mem>> -> memref<1x!tpu.dma_semaphore, #tpu.memory_space<semaphore_mem>>
            %dma_wait3A_570 = tpu.memref_squeeze %dma_wait3A_569 : memref<1x!tpu.dma_semaphore, #tpu.memory_space<semaphore_mem>> -> memref<!tpu.dma_semaphore, #tpu.memory_space<semaphore_mem>>
            tpu.wait_indirect_dma semaphore(%dma_wait3A_570 : memref<!tpu.dma_semaphore, #tpu.memory_space<semaphore_mem>>) src(%arg6 : memref<125xi32, #tpu.memory_space<vmem>>) dst(%dma_wait3A_568 : memref<16777216xi32, #tpu.memory_space<hbm>>)
          } else {
          }
          %add3A_488 = arith.constant 1 : i32
          %add3A_489 = arith.addi %scan3A_388, %add3A_488 : i32
          %mul3A_490 = arith.constant 8 : i32
          %mul3A_491 = arith.muli %add3A_489, %mul3A_490 : i32
          %add3A_492 = arith.addi %mul3A_123, %mul3A_491 : i32
          %dma_start3A_493 = arith.constant 0 : i32
          %dma_start3A_494 = arith.constant 0 : i32
          %dma_start3A_495 = tpu.memref_slice %arg5[%rem3A_395, %dma_start3A_493, %dma_start3A_494] : memref<3x8x125xi32, #tpu.memory_space<vmem>> -> memref<1x8x125xi32, #tpu.memory_space<vmem>>
          %dma_start3A_496 = tpu.memref_squeeze %dma_start3A_495 : memref<1x8x125xi32, #tpu.memory_space<vmem>> -> memref<8x125xi32, #tpu.memory_space<vmem>>
          %dma_start3A_497 = arith.constant 0 : i32
          %dma_start3A_498 = tpu.memref_slice %arg2[%add3A_492, %dma_start3A_497] : memref<16000x125xi32, #tpu.memory_space<hbm>> -> memref<8x125xi32, #tpu.memory_space<hbm>>
          %dma_start3A_499 = tpu.memref_slice %arg8[%rem3A_395] : memref<3x!tpu.dma_semaphore, #tpu.memory_space<semaphore_mem>> -> memref<1x!tpu.dma_semaphore, #tpu.memory_space<semaphore_mem>>
          %dma_start3A_500 = tpu.memref_squeeze %dma_start3A_499 : memref<1x!tpu.dma_semaphore, #tpu.memory_space<semaphore_mem>> -> memref<!tpu.dma_semaphore, #tpu.memory_space<semaphore_mem>>
          %dma_start3A_501 = arith.constant 0 : i32
          %dma_start3A_502 = arith.constant 0 : i32
          %dma_start3A_503 = tpu.memref_slice %arg5[%rem3A_395, %dma_start3A_501, %dma_start3A_502] : memref<3x8x125xi32, #tpu.memory_space<vmem>> -> memref<1x8x125xi32, #tpu.memory_space<vmem>>
          %dma_start3A_504 = tpu.memref_squeeze %dma_start3A_503 : memref<1x8x125xi32, #tpu.memory_space<vmem>> -> memref<8x125xi32, #tpu.memory_space<vmem>>
          %dma_start3A_505 = arith.constant 0 : i32
          %dma_start3A_506 = tpu.memref_slice %arg2[%add3A_492, %dma_start3A_505] : memref<16000x125xi32, #tpu.memory_space<hbm>> -> memref<8x125xi32, #tpu.memory_space<hbm>>
          tpu.enqueue_dma source(%dma_start3A_506 : memref<8x125xi32, #tpu.memory_space<hbm>>) target(%dma_start3A_504 : memref<8x125xi32, #tpu.memory_space<vmem>>) target_semaphore(%dma_start3A_500 : memref<!tpu.dma_semaphore, #tpu.memory_space<semaphore_mem>>)
        } else {
        }
      } else {
      }
    }
    %scan3A_147 = arith.constant 63 : i32
    %dma_wait3A_148 = arith.constant 0 : i32
    %dma_wait3A_149 = arith.constant 0 : i32
    %dma_wait3A_150 = arith.constant 0 : i32
    %dma_wait3A_151 = arith.constant 0 : i32
    %dma_wait3A_152 = tpu.memref_slice %arg5[%dma_wait3A_148, %dma_wait3A_149, %dma_wait3A_151] : memref<3x8x125xi32, #tpu.memory_space<vmem>> -> memref<1x1x125xi32, #tpu.memory_space<vmem>>
    %dma_wait3A_153 = tpu.memref_squeeze %dma_wait3A_152 : memref<1x1x125xi32, #tpu.memory_space<vmem>> -> memref<125xi32, #tpu.memory_space<vmem>>
    %dma_wait3A_154 = arith.constant 0 : i32
    %dma_wait3A_155 = tpu.memref_slice %arg3[%dma_wait3A_154] : memref<16777216xi32, #tpu.memory_space<hbm>> -> memref<16777216xi32, #tpu.memory_space<hbm>>
    %dma_wait3A_156 = tpu.memref_slice %arg9[%dma_wait3A_150] : memref<3x!tpu.dma_semaphore, #tpu.memory_space<semaphore_mem>> -> memref<1x!tpu.dma_semaphore, #tpu.memory_space<semaphore_mem>>
    %dma_wait3A_157 = tpu.memref_squeeze %dma_wait3A_156 : memref<1x!tpu.dma_semaphore, #tpu.memory_space<semaphore_mem>> -> memref<!tpu.dma_semaphore, #tpu.memory_space<semaphore_mem>>
    tpu.wait_indirect_dma semaphore(%dma_wait3A_157 : memref<!tpu.dma_semaphore, #tpu.memory_space<semaphore_mem>>) src(%arg6 : memref<125xi32, #tpu.memory_space<vmem>>) dst(%dma_wait3A_155 : memref<16777216xi32, #tpu.memory_space<hbm>>)
    %dma_wait3A_158 = arith.constant 0 : i32
    %dma_wait3A_159 = arith.constant 1 : i32
    %dma_wait3A_160 = arith.constant 0 : i32
    %dma_wait3A_161 = arith.constant 0 : i32
    %dma_wait3A_162 = tpu.memref_slice %arg5[%dma_wait3A_158, %dma_wait3A_159, %dma_wait3A_161] : memref<3x8x125xi32, #tpu.memory_space<vmem>> -> memref<1x1x125xi32, #tpu.memory_space<vmem>>
    %dma_wait3A_163 = tpu.memref_squeeze %dma_wait3A_162 : memref<1x1x125xi32, #tpu.memory_space<vmem>> -> memref<125xi32, #tpu.memory_space<vmem>>
    %dma_wait3A_164 = arith.constant 0 : i32
    %dma_wait3A_165 = tpu.memref_slice %arg3[%dma_wait3A_164] : memref<16777216xi32, #tpu.memory_space<hbm>> -> memref<16777216xi32, #tpu.memory_space<hbm>>
    %dma_wait3A_166 = tpu.memref_slice %arg9[%dma_wait3A_160] : memref<3x!tpu.dma_semaphore, #tpu.memory_space<semaphore_mem>> -> memref<1x!tpu.dma_semaphore, #tpu.memory_space<semaphore_mem>>
    %dma_wait3A_167 = tpu.memref_squeeze %dma_wait3A_166 : memref<1x!tpu.dma_semaphore, #tpu.memory_space<semaphore_mem>> -> memref<!tpu.dma_semaphore, #tpu.memory_space<semaphore_mem>>
    tpu.wait_indirect_dma semaphore(%dma_wait3A_167 : memref<!tpu.dma_semaphore, #tpu.memory_space<semaphore_mem>>) src(%arg6 : memref<125xi32, #tpu.memory_space<vmem>>) dst(%dma_wait3A_165 : memref<16777216xi32, #tpu.memory_space<hbm>>)
    %dma_wait3A_168 = arith.constant 0 : i32
    %dma_wait3A_169 = arith.constant 2 : i32
    %dma_wait3A_170 = arith.constant 0 : i32
    %dma_wait3A_171 = arith.constant 0 : i32
    %dma_wait3A_172 = tpu.memref_slice %arg5[%dma_wait3A_168, %dma_wait3A_169, %dma_wait3A_171] : memref<3x8x125xi32, #tpu.memory_space<vmem>> -> memref<1x1x125xi32, #tpu.memory_space<vmem>>
    %dma_wait3A_173 = tpu.memref_squeeze %dma_wait3A_172 : memref<1x1x125xi32, #tpu.memory_space<vmem>> -> memref<125xi32, #tpu.memory_space<vmem>>
    %dma_wait3A_174 = arith.constant 0 : i32
    %dma_wait3A_175 = tpu.memref_slice %arg3[%dma_wait3A_174] : memref<16777216xi32, #tpu.memory_space<hbm>> -> memref<16777216xi32, #tpu.memory_space<hbm>>
    %dma_wait3A_176 = tpu.memref_slice %arg9[%dma_wait3A_170] : memref<3x!tpu.dma_semaphore, #tpu.memory_space<semaphore_mem>> -> memref<1x!tpu.dma_semaphore, #tpu.memory_space<semaphore_mem>>
    %dma_wait3A_177 = tpu.memref_squeeze %dma_wait3A_176 : memref<1x!tpu.dma_semaphore, #tpu.memory_space<semaphore_mem>> -> memref<!tpu.dma_semaphore, #tpu.memory_space<semaphore_mem>>
    tpu.wait_indirect_dma semaphore(%dma_wait3A_177 : memref<!tpu.dma_semaphore, #tpu.memory_space<semaphore_mem>>) src(%arg6 : memref<125xi32, #tpu.memory_space<vmem>>) dst(%dma_wait3A_175 : memref<16777216xi32, #tpu.memory_space<hbm>>)
    %dma_wait3A_178 = arith.constant 0 : i32
    %dma_wait3A_179 = arith.constant 3 : i32
    %dma_wait3A_180 = arith.constant 0 : i32
    %dma_wait3A_181 = arith.constant 0 : i32
    %dma_wait3A_182 = tpu.memref_slice %arg5[%dma_wait3A_178, %dma_wait3A_179, %dma_wait3A_181] : memref<3x8x125xi32, #tpu.memory_space<vmem>> -> memref<1x1x125xi32, #tpu.memory_space<vmem>>
    %dma_wait3A_183 = tpu.memref_squeeze %dma_wait3A_182 : memref<1x1x125xi32, #tpu.memory_space<vmem>> -> memref<125xi32, #tpu.memory_space<vmem>>
    %dma_wait3A_184 = arith.constant 0 : i32
    %dma_wait3A_185 = tpu.memref_slice %arg3[%dma_wait3A_184] : memref<16777216xi32, #tpu.memory_space<hbm>> -> memref<16777216xi32, #tpu.memory_space<hbm>>
    %dma_wait3A_186 = tpu.memref_slice %arg9[%dma_wait3A_180] : memref<3x!tpu.dma_semaphore, #tpu.memory_space<semaphore_mem>> -> memref<1x!tpu.dma_semaphore, #tpu.memory_space<semaphore_mem>>
    %dma_wait3A_187 = tpu.memref_squeeze %dma_wait3A_186 : memref<1x!tpu.dma_semaphore, #tpu.memory_space<semaphore_mem>> -> memref<!tpu.dma_semaphore, #tpu.memory_space<semaphore_mem>>
    tpu.wait_indirect_dma semaphore(%dma_wait3A_187 : memref<!tpu.dma_semaphore, #tpu.memory_space<semaphore_mem>>) src(%arg6 : memref<125xi32, #tpu.memory_space<vmem>>) dst(%dma_wait3A_185 : memref<16777216xi32, #tpu.memory_space<hbm>>)
    %dma_wait3A_188 = arith.constant 0 : i32
    %dma_wait3A_189 = arith.constant 4 : i32
    %dma_wait3A_190 = arith.constant 0 : i32
    %dma_wait3A_191 = arith.constant 0 : i32
    %dma_wait3A_192 = tpu.memref_slice %arg5[%dma_wait3A_188, %dma_wait3A_189, %dma_wait3A_191] : memref<3x8x125xi32, #tpu.memory_space<vmem>> -> memref<1x1x125xi32, #tpu.memory_space<vmem>>
    %dma_wait3A_193 = tpu.memref_squeeze %dma_wait3A_192 : memref<1x1x125xi32, #tpu.memory_space<vmem>> -> memref<125xi32, #tpu.memory_space<vmem>>
    %dma_wait3A_194 = arith.constant 0 : i32
    %dma_wait3A_195 = tpu.memref_slice %arg3[%dma_wait3A_194] : memref<16777216xi32, #tpu.memory_space<hbm>> -> memref<16777216xi32, #tpu.memory_space<hbm>>
    %dma_wait3A_196 = tpu.memref_slice %arg9[%dma_wait3A_190] : memref<3x!tpu.dma_semaphore, #tpu.memory_space<semaphore_mem>> -> memref<1x!tpu.dma_semaphore, #tpu.memory_space<semaphore_mem>>
    %dma_wait3A_197 = tpu.memref_squeeze %dma_wait3A_196 : memref<1x!tpu.dma_semaphore, #tpu.memory_space<semaphore_mem>> -> memref<!tpu.dma_semaphore, #tpu.memory_space<semaphore_mem>>
    tpu.wait_indirect_dma semaphore(%dma_wait3A_197 : memref<!tpu.dma_semaphore, #tpu.memory_space<semaphore_mem>>) src(%arg6 : memref<125xi32, #tpu.memory_space<vmem>>) dst(%dma_wait3A_195 : memref<16777216xi32, #tpu.memory_space<hbm>>)
    %dma_wait3A_198 = arith.constant 0 : i32
    %dma_wait3A_199 = arith.constant 5 : i32
    %dma_wait3A_200 = arith.constant 0 : i32
    %dma_wait3A_201 = arith.constant 0 : i32
    %dma_wait3A_202 = tpu.memref_slice %arg5[%dma_wait3A_198, %dma_wait3A_199, %dma_wait3A_201] : memref<3x8x125xi32, #tpu.memory_space<vmem>> -> memref<1x1x125xi32, #tpu.memory_space<vmem>>
    %dma_wait3A_203 = tpu.memref_squeeze %dma_wait3A_202 : memref<1x1x125xi32, #tpu.memory_space<vmem>> -> memref<125xi32, #tpu.memory_space<vmem>>
    %dma_wait3A_204 = arith.constant 0 : i32
    %dma_wait3A_205 = tpu.memref_slice %arg3[%dma_wait3A_204] : memref<16777216xi32, #tpu.memory_space<hbm>> -> memref<16777216xi32, #tpu.memory_space<hbm>>
    %dma_wait3A_206 = tpu.memref_slice %arg9[%dma_wait3A_200] : memref<3x!tpu.dma_semaphore, #tpu.memory_space<semaphore_mem>> -> memref<1x!tpu.dma_semaphore, #tpu.memory_space<semaphore_mem>>
    %dma_wait3A_207 = tpu.memref_squeeze %dma_wait3A_206 : memref<1x!tpu.dma_semaphore, #tpu.memory_space<semaphore_mem>> -> memref<!tpu.dma_semaphore, #tpu.memory_space<semaphore_mem>>
    tpu.wait_indirect_dma semaphore(%dma_wait3A_207 : memref<!tpu.dma_semaphore, #tpu.memory_space<semaphore_mem>>) src(%arg6 : memref<125xi32, #tpu.memory_space<vmem>>) dst(%dma_wait3A_205 : memref<16777216xi32, #tpu.memory_space<hbm>>)
    %dma_wait3A_208 = arith.constant 0 : i32
    %dma_wait3A_209 = arith.constant 6 : i32
    %dma_wait3A_210 = arith.constant 0 : i32
    %dma_wait3A_211 = arith.constant 0 : i32
    %dma_wait3A_212 = tpu.memref_slice %arg5[%dma_wait3A_208, %dma_wait3A_209, %dma_wait3A_211] : memref<3x8x125xi32, #tpu.memory_space<vmem>> -> memref<1x1x125xi32, #tpu.memory_space<vmem>>
    %dma_wait3A_213 = tpu.memref_squeeze %dma_wait3A_212 : memref<1x1x125xi32, #tpu.memory_space<vmem>> -> memref<125xi32, #tpu.memory_space<vmem>>
    %dma_wait3A_214 = arith.constant 0 : i32
    %dma_wait3A_215 = tpu.memref_slice %arg3[%dma_wait3A_214] : memref<16777216xi32, #tpu.memory_space<hbm>> -> memref<16777216xi32, #tpu.memory_space<hbm>>
    %dma_wait3A_216 = tpu.memref_slice %arg9[%dma_wait3A_210] : memref<3x!tpu.dma_semaphore, #tpu.memory_space<semaphore_mem>> -> memref<1x!tpu.dma_semaphore, #tpu.memory_space<semaphore_mem>>
    %dma_wait3A_217 = tpu.memref_squeeze %dma_wait3A_216 : memref<1x!tpu.dma_semaphore, #tpu.memory_space<semaphore_mem>> -> memref<!tpu.dma_semaphore, #tpu.memory_space<semaphore_mem>>
    tpu.wait_indirect_dma semaphore(%dma_wait3A_217 : memref<!tpu.dma_semaphore, #tpu.memory_space<semaphore_mem>>) src(%arg6 : memref<125xi32, #tpu.memory_space<vmem>>) dst(%dma_wait3A_215 : memref<16777216xi32, #tpu.memory_space<hbm>>)
    %dma_wait3A_218 = arith.constant 0 : i32
    %dma_wait3A_219 = arith.constant 7 : i32
    %dma_wait3A_220 = arith.constant 0 : i32
    %dma_wait3A_221 = arith.constant 0 : i32
    %dma_wait3A_222 = tpu.memref_slice %arg5[%dma_wait3A_218, %dma_wait3A_219, %dma_wait3A_221] : memref<3x8x125xi32, #tpu.memory_space<vmem>> -> memref<1x1x125xi32, #tpu.memory_space<vmem>>
    %dma_wait3A_223 = tpu.memref_squeeze %dma_wait3A_222 : memref<1x1x125xi32, #tpu.memory_space<vmem>> -> memref<125xi32, #tpu.memory_space<vmem>>
    %dma_wait3A_224 = arith.constant 0 : i32
    %dma_wait3A_225 = tpu.memref_slice %arg3[%dma_wait3A_224] : memref<16777216xi32, #tpu.memory_space<hbm>> -> memref<16777216xi32, #tpu.memory_space<hbm>>
    %dma_wait3A_226 = tpu.memref_slice %arg9[%dma_wait3A_220] : memref<3x!tpu.dma_semaphore, #tpu.memory_space<semaphore_mem>> -> memref<1x!tpu.dma_semaphore, #tpu.memory_space<semaphore_mem>>
    %dma_wait3A_227 = tpu.memref_squeeze %dma_wait3A_226 : memref<1x!tpu.dma_semaphore, #tpu.memory_space<semaphore_mem>> -> memref<!tpu.dma_semaphore, #tpu.memory_space<semaphore_mem>>
    tpu.wait_indirect_dma semaphore(%dma_wait3A_227 : memref<!tpu.dma_semaphore, #tpu.memory_space<semaphore_mem>>) src(%arg6 : memref<125xi32, #tpu.memory_space<vmem>>) dst(%dma_wait3A_225 : memref<16777216xi32, #tpu.memory_space<hbm>>)
    %dma_wait3A_228 = arith.constant 1 : i32
    %dma_wait3A_229 = arith.constant 0 : i32
    %dma_wait3A_230 = arith.constant 1 : i32
    %dma_wait3A_231 = arith.constant 0 : i32
    %dma_wait3A_232 = tpu.memref_slice %arg5[%dma_wait3A_228, %dma_wait3A_229, %dma_wait3A_231] : memref<3x8x125xi32, #tpu.memory_space<vmem>> -> memref<1x1x125xi32, #tpu.memory_space<vmem>>
    %dma_wait3A_233 = tpu.memref_squeeze %dma_wait3A_232 : memref<1x1x125xi32, #tpu.memory_space<vmem>> -> memref<125xi32, #tpu.memory_space<vmem>>
    %dma_wait3A_234 = arith.constant 0 : i32
    %dma_wait3A_235 = tpu.memref_slice %arg3[%dma_wait3A_234] : memref<16777216xi32, #tpu.memory_space<hbm>> -> memref<16777216xi32, #tpu.memory_space<hbm>>
    %dma_wait3A_236 = tpu.memref_slice %arg9[%dma_wait3A_230] : memref<3x!tpu.dma_semaphore, #tpu.memory_space<semaphore_mem>> -> memref<1x!tpu.dma_semaphore, #tpu.memory_space<semaphore_mem>>
    %dma_wait3A_237 = tpu.memref_squeeze %dma_wait3A_236 : memref<1x!tpu.dma_semaphore, #tpu.memory_space<semaphore_mem>> -> memref<!tpu.dma_semaphore, #tpu.memory_space<semaphore_mem>>
    tpu.wait_indirect_dma semaphore(%dma_wait3A_237 : memref<!tpu.dma_semaphore, #tpu.memory_space<semaphore_mem>>) src(%arg6 : memref<125xi32, #tpu.memory_space<vmem>>) dst(%dma_wait3A_235 : memref<16777216xi32, #tpu.memory_space<hbm>>)
    %dma_wait3A_238 = arith.constant 1 : i32
    %dma_wait3A_239 = arith.constant 1 : i32
    %dma_wait3A_240 = arith.constant 1 : i32
    %dma_wait3A_241 = arith.constant 0 : i32
    %dma_wait3A_242 = tpu.memref_slice %arg5[%dma_wait3A_238, %dma_wait3A_239, %dma_wait3A_241] : memref<3x8x125xi32, #tpu.memory_space<vmem>> -> memref<1x1x125xi32, #tpu.memory_space<vmem>>
    %dma_wait3A_243 = tpu.memref_squeeze %dma_wait3A_242 : memref<1x1x125xi32, #tpu.memory_space<vmem>> -> memref<125xi32, #tpu.memory_space<vmem>>
    %dma_wait3A_244 = arith.constant 0 : i32
    %dma_wait3A_245 = tpu.memref_slice %arg3[%dma_wait3A_244] : memref<16777216xi32, #tpu.memory_space<hbm>> -> memref<16777216xi32, #tpu.memory_space<hbm>>
    %dma_wait3A_246 = tpu.memref_slice %arg9[%dma_wait3A_240] : memref<3x!tpu.dma_semaphore, #tpu.memory_space<semaphore_mem>> -> memref<1x!tpu.dma_semaphore, #tpu.memory_space<semaphore_mem>>
    %dma_wait3A_247 = tpu.memref_squeeze %dma_wait3A_246 : memref<1x!tpu.dma_semaphore, #tpu.memory_space<semaphore_mem>> -> memref<!tpu.dma_semaphore, #tpu.memory_space<semaphore_mem>>
    tpu.wait_indirect_dma semaphore(%dma_wait3A_247 : memref<!tpu.dma_semaphore, #tpu.memory_space<semaphore_mem>>) src(%arg6 : memref<125xi32, #tpu.memory_space<vmem>>) dst(%dma_wait3A_245 : memref<16777216xi32, #tpu.memory_space<hbm>>)
    %dma_wait3A_248 = arith.constant 1 : i32
    %dma_wait3A_249 = arith.constant 2 : i32
    %dma_wait3A_250 = arith.constant 1 : i32
    %dma_wait3A_251 = arith.constant 0 : i32
    %dma_wait3A_252 = tpu.memref_slice %arg5[%dma_wait3A_248, %dma_wait3A_249, %dma_wait3A_251] : memref<3x8x125xi32, #tpu.memory_space<vmem>> -> memref<1x1x125xi32, #tpu.memory_space<vmem>>
    %dma_wait3A_253 = tpu.memref_squeeze %dma_wait3A_252 : memref<1x1x125xi32, #tpu.memory_space<vmem>> -> memref<125xi32, #tpu.memory_space<vmem>>
    %dma_wait3A_254 = arith.constant 0 : i32
    %dma_wait3A_255 = tpu.memref_slice %arg3[%dma_wait3A_254] : memref<16777216xi32, #tpu.memory_space<hbm>> -> memref<16777216xi32, #tpu.memory_space<hbm>>
    %dma_wait3A_256 = tpu.memref_slice %arg9[%dma_wait3A_250] : memref<3x!tpu.dma_semaphore, #tpu.memory_space<semaphore_mem>> -> memref<1x!tpu.dma_semaphore, #tpu.memory_space<semaphore_mem>>
    %dma_wait3A_257 = tpu.memref_squeeze %dma_wait3A_256 : memref<1x!tpu.dma_semaphore, #tpu.memory_space<semaphore_mem>> -> memref<!tpu.dma_semaphore, #tpu.memory_space<semaphore_mem>>
    tpu.wait_indirect_dma semaphore(%dma_wait3A_257 : memref<!tpu.dma_semaphore, #tpu.memory_space<semaphore_mem>>) src(%arg6 : memref<125xi32, #tpu.memory_space<vmem>>) dst(%dma_wait3A_255 : memref<16777216xi32, #tpu.memory_space<hbm>>)
    %dma_wait3A_258 = arith.constant 1 : i32
    %dma_wait3A_259 = arith.constant 3 : i32
    %dma_wait3A_260 = arith.constant 1 : i32
    %dma_wait3A_261 = arith.constant 0 : i32
    %dma_wait3A_262 = tpu.memref_slice %arg5[%dma_wait3A_258, %dma_wait3A_259, %dma_wait3A_261] : memref<3x8x125xi32, #tpu.memory_space<vmem>> -> memref<1x1x125xi32, #tpu.memory_space<vmem>>
    %dma_wait3A_263 = tpu.memref_squeeze %dma_wait3A_262 : memref<1x1x125xi32, #tpu.memory_space<vmem>> -> memref<125xi32, #tpu.memory_space<vmem>>
    %dma_wait3A_264 = arith.constant 0 : i32
    %dma_wait3A_265 = tpu.memref_slice %arg3[%dma_wait3A_264] : memref<16777216xi32, #tpu.memory_space<hbm>> -> memref<16777216xi32, #tpu.memory_space<hbm>>
    %dma_wait3A_266 = tpu.memref_slice %arg9[%dma_wait3A_260] : memref<3x!tpu.dma_semaphore, #tpu.memory_space<semaphore_mem>> -> memref<1x!tpu.dma_semaphore, #tpu.memory_space<semaphore_mem>>
    %dma_wait3A_267 = tpu.memref_squeeze %dma_wait3A_266 : memref<1x!tpu.dma_semaphore, #tpu.memory_space<semaphore_mem>> -> memref<!tpu.dma_semaphore, #tpu.memory_space<semaphore_mem>>
    tpu.wait_indirect_dma semaphore(%dma_wait3A_267 : memref<!tpu.dma_semaphore, #tpu.memory_space<semaphore_mem>>) src(%arg6 : memref<125xi32, #tpu.memory_space<vmem>>) dst(%dma_wait3A_265 : memref<16777216xi32, #tpu.memory_space<hbm>>)
    %dma_wait3A_268 = arith.constant 1 : i32
    %dma_wait3A_269 = arith.constant 4 : i32
    %dma_wait3A_270 = arith.constant 1 : i32
    %dma_wait3A_271 = arith.constant 0 : i32
    %dma_wait3A_272 = tpu.memref_slice %arg5[%dma_wait3A_268, %dma_wait3A_269, %dma_wait3A_271] : memref<3x8x125xi32, #tpu.memory_space<vmem>> -> memref<1x1x125xi32, #tpu.memory_space<vmem>>
    %dma_wait3A_273 = tpu.memref_squeeze %dma_wait3A_272 : memref<1x1x125xi32, #tpu.memory_space<vmem>> -> memref<125xi32, #tpu.memory_space<vmem>>
    %dma_wait3A_274 = arith.constant 0 : i32
    %dma_wait3A_275 = tpu.memref_slice %arg3[%dma_wait3A_274] : memref<16777216xi32, #tpu.memory_space<hbm>> -> memref<16777216xi32, #tpu.memory_space<hbm>>
    %dma_wait3A_276 = tpu.memref_slice %arg9[%dma_wait3A_270] : memref<3x!tpu.dma_semaphore, #tpu.memory_space<semaphore_mem>> -> memref<1x!tpu.dma_semaphore, #tpu.memory_space<semaphore_mem>>
    %dma_wait3A_277 = tpu.memref_squeeze %dma_wait3A_276 : memref<1x!tpu.dma_semaphore, #tpu.memory_space<semaphore_mem>> -> memref<!tpu.dma_semaphore, #tpu.memory_space<semaphore_mem>>
    tpu.wait_indirect_dma semaphore(%dma_wait3A_277 : memref<!tpu.dma_semaphore, #tpu.memory_space<semaphore_mem>>) src(%arg6 : memref<125xi32, #tpu.memory_space<vmem>>) dst(%dma_wait3A_275 : memref<16777216xi32, #tpu.memory_space<hbm>>)
    %dma_wait3A_278 = arith.constant 1 : i32
    %dma_wait3A_279 = arith.constant 5 : i32
    %dma_wait3A_280 = arith.constant 1 : i32
    %dma_wait3A_281 = arith.constant 0 : i32
    %dma_wait3A_282 = tpu.memref_slice %arg5[%dma_wait3A_278, %dma_wait3A_279, %dma_wait3A_281] : memref<3x8x125xi32, #tpu.memory_space<vmem>> -> memref<1x1x125xi32, #tpu.memory_space<vmem>>
    %dma_wait3A_283 = tpu.memref_squeeze %dma_wait3A_282 : memref<1x1x125xi32, #tpu.memory_space<vmem>> -> memref<125xi32, #tpu.memory_space<vmem>>
    %dma_wait3A_284 = arith.constant 0 : i32
    %dma_wait3A_285 = tpu.memref_slice %arg3[%dma_wait3A_284] : memref<16777216xi32, #tpu.memory_space<hbm>> -> memref<16777216xi32, #tpu.memory_space<hbm>>
    %dma_wait3A_286 = tpu.memref_slice %arg9[%dma_wait3A_280] : memref<3x!tpu.dma_semaphore, #tpu.memory_space<semaphore_mem>> -> memref<1x!tpu.dma_semaphore, #tpu.memory_space<semaphore_mem>>
    %dma_wait3A_287 = tpu.memref_squeeze %dma_wait3A_286 : memref<1x!tpu.dma_semaphore, #tpu.memory_space<semaphore_mem>> -> memref<!tpu.dma_semaphore, #tpu.memory_space<semaphore_mem>>
    tpu.wait_indirect_dma semaphore(%dma_wait3A_287 : memref<!tpu.dma_semaphore, #tpu.memory_space<semaphore_mem>>) src(%arg6 : memref<125xi32, #tpu.memory_space<vmem>>) dst(%dma_wait3A_285 : memref<16777216xi32, #tpu.memory_space<hbm>>)
    %dma_wait3A_288 = arith.constant 1 : i32
    %dma_wait3A_289 = arith.constant 6 : i32
    %dma_wait3A_290 = arith.constant 1 : i32
    %dma_wait3A_291 = arith.constant 0 : i32
    %dma_wait3A_292 = tpu.memref_slice %arg5[%dma_wait3A_288, %dma_wait3A_289, %dma_wait3A_291] : memref<3x8x125xi32, #tpu.memory_space<vmem>> -> memref<1x1x125xi32, #tpu.memory_space<vmem>>
    %dma_wait3A_293 = tpu.memref_squeeze %dma_wait3A_292 : memref<1x1x125xi32, #tpu.memory_space<vmem>> -> memref<125xi32, #tpu.memory_space<vmem>>
    %dma_wait3A_294 = arith.constant 0 : i32
    %dma_wait3A_295 = tpu.memref_slice %arg3[%dma_wait3A_294] : memref<16777216xi32, #tpu.memory_space<hbm>> -> memref<16777216xi32, #tpu.memory_space<hbm>>
    %dma_wait3A_296 = tpu.memref_slice %arg9[%dma_wait3A_290] : memref<3x!tpu.dma_semaphore, #tpu.memory_space<semaphore_mem>> -> memref<1x!tpu.dma_semaphore, #tpu.memory_space<semaphore_mem>>
    %dma_wait3A_297 = tpu.memref_squeeze %dma_wait3A_296 : memref<1x!tpu.dma_semaphore, #tpu.memory_space<semaphore_mem>> -> memref<!tpu.dma_semaphore, #tpu.memory_space<semaphore_mem>>
    tpu.wait_indirect_dma semaphore(%dma_wait3A_297 : memref<!tpu.dma_semaphore, #tpu.memory_space<semaphore_mem>>) src(%arg6 : memref<125xi32, #tpu.memory_space<vmem>>) dst(%dma_wait3A_295 : memref<16777216xi32, #tpu.memory_space<hbm>>)
    %dma_wait3A_298 = arith.constant 1 : i32
    %dma_wait3A_299 = arith.constant 7 : i32
    %dma_wait3A_300 = arith.constant 1 : i32
    %dma_wait3A_301 = arith.constant 0 : i32
    %dma_wait3A_302 = tpu.memref_slice %arg5[%dma_wait3A_298, %dma_wait3A_299, %dma_wait3A_301] : memref<3x8x125xi32, #tpu.memory_space<vmem>> -> memref<1x1x125xi32, #tpu.memory_space<vmem>>
    %dma_wait3A_303 = tpu.memref_squeeze %dma_wait3A_302 : memref<1x1x125xi32, #tpu.memory_space<vmem>> -> memref<125xi32, #tpu.memory_space<vmem>>
    %dma_wait3A_304 = arith.constant 0 : i32
    %dma_wait3A_305 = tpu.memref_slice %arg3[%dma_wait3A_304] : memref<16777216xi32, #tpu.memory_space<hbm>> -> memref<16777216xi32, #tpu.memory_space<hbm>>
    %dma_wait3A_306 = tpu.memref_slice %arg9[%dma_wait3A_300] : memref<3x!tpu.dma_semaphore, #tpu.memory_space<semaphore_mem>> -> memref<1x!tpu.dma_semaphore, #tpu.memory_space<semaphore_mem>>
    %dma_wait3A_307 = tpu.memref_squeeze %dma_wait3A_306 : memref<1x!tpu.dma_semaphore, #tpu.memory_space<semaphore_mem>> -> memref<!tpu.dma_semaphore, #tpu.memory_space<semaphore_mem>>
    tpu.wait_indirect_dma semaphore(%dma_wait3A_307 : memref<!tpu.dma_semaphore, #tpu.memory_space<semaphore_mem>>) src(%arg6 : memref<125xi32, #tpu.memory_space<vmem>>) dst(%dma_wait3A_305 : memref<16777216xi32, #tpu.memory_space<hbm>>)
    %dma_wait3A_308 = arith.constant 2 : i32
    %dma_wait3A_309 = arith.constant 0 : i32
    %dma_wait3A_310 = arith.constant 2 : i32
    %dma_wait3A_311 = arith.constant 0 : i32
    %dma_wait3A_312 = tpu.memref_slice %arg5[%dma_wait3A_308, %dma_wait3A_309, %dma_wait3A_311] : memref<3x8x125xi32, #tpu.memory_space<vmem>> -> memref<1x1x125xi32, #tpu.memory_space<vmem>>
    %dma_wait3A_313 = tpu.memref_squeeze %dma_wait3A_312 : memref<1x1x125xi32, #tpu.memory_space<vmem>> -> memref<125xi32, #tpu.memory_space<vmem>>
    %dma_wait3A_314 = arith.constant 0 : i32
    %dma_wait3A_315 = tpu.memref_slice %arg3[%dma_wait3A_314] : memref<16777216xi32, #tpu.memory_space<hbm>> -> memref<16777216xi32, #tpu.memory_space<hbm>>
    %dma_wait3A_316 = tpu.memref_slice %arg9[%dma_wait3A_310] : memref<3x!tpu.dma_semaphore, #tpu.memory_space<semaphore_mem>> -> memref<1x!tpu.dma_semaphore, #tpu.memory_space<semaphore_mem>>
    %dma_wait3A_317 = tpu.memref_squeeze %dma_wait3A_316 : memref<1x!tpu.dma_semaphore, #tpu.memory_space<semaphore_mem>> -> memref<!tpu.dma_semaphore, #tpu.memory_space<semaphore_mem>>
    tpu.wait_indirect_dma semaphore(%dma_wait3A_317 : memref<!tpu.dma_semaphore, #tpu.memory_space<semaphore_mem>>) src(%arg6 : memref<125xi32, #tpu.memory_space<vmem>>) dst(%dma_wait3A_315 : memref<16777216xi32, #tpu.memory_space<hbm>>)
    %dma_wait3A_318 = arith.constant 2 : i32
    %dma_wait3A_319 = arith.constant 1 : i32
    %dma_wait3A_320 = arith.constant 2 : i32
    %dma_wait3A_321 = arith.constant 0 : i32
    %dma_wait3A_322 = tpu.memref_slice %arg5[%dma_wait3A_318, %dma_wait3A_319, %dma_wait3A_321] : memref<3x8x125xi32, #tpu.memory_space<vmem>> -> memref<1x1x125xi32, #tpu.memory_space<vmem>>
    %dma_wait3A_323 = tpu.memref_squeeze %dma_wait3A_322 : memref<1x1x125xi32, #tpu.memory_space<vmem>> -> memref<125xi32, #tpu.memory_space<vmem>>
    %dma_wait3A_324 = arith.constant 0 : i32
    %dma_wait3A_325 = tpu.memref_slice %arg3[%dma_wait3A_324] : memref<16777216xi32, #tpu.memory_space<hbm>> -> memref<16777216xi32, #tpu.memory_space<hbm>>
    %dma_wait3A_326 = tpu.memref_slice %arg9[%dma_wait3A_320] : memref<3x!tpu.dma_semaphore, #tpu.memory_space<semaphore_mem>> -> memref<1x!tpu.dma_semaphore, #tpu.memory_space<semaphore_mem>>
    %dma_wait3A_327 = tpu.memref_squeeze %dma_wait3A_326 : memref<1x!tpu.dma_semaphore, #tpu.memory_space<semaphore_mem>> -> memref<!tpu.dma_semaphore, #tpu.memory_space<semaphore_mem>>
    tpu.wait_indirect_dma semaphore(%dma_wait3A_327 : memref<!tpu.dma_semaphore, #tpu.memory_space<semaphore_mem>>) src(%arg6 : memref<125xi32, #tpu.memory_space<vmem>>) dst(%dma_wait3A_325 : memref<16777216xi32, #tpu.memory_space<hbm>>)
    %dma_wait3A_328 = arith.constant 2 : i32
    %dma_wait3A_329 = arith.constant 2 : i32
    %dma_wait3A_330 = arith.constant 2 : i32
    %dma_wait3A_331 = arith.constant 0 : i32
    %dma_wait3A_332 = tpu.memref_slice %arg5[%dma_wait3A_328, %dma_wait3A_329, %dma_wait3A_331] : memref<3x8x125xi32, #tpu.memory_space<vmem>> -> memref<1x1x125xi32, #tpu.memory_space<vmem>>
    %dma_wait3A_333 = tpu.memref_squeeze %dma_wait3A_332 : memref<1x1x125xi32, #tpu.memory_space<vmem>> -> memref<125xi32, #tpu.memory_space<vmem>>
    %dma_wait3A_334 = arith.constant 0 : i32
    %dma_wait3A_335 = tpu.memref_slice %arg3[%dma_wait3A_334] : memref<16777216xi32, #tpu.memory_space<hbm>> -> memref<16777216xi32, #tpu.memory_space<hbm>>
    %dma_wait3A_336 = tpu.memref_slice %arg9[%dma_wait3A_330] : memref<3x!tpu.dma_semaphore, #tpu.memory_space<semaphore_mem>> -> memref<1x!tpu.dma_semaphore, #tpu.memory_space<semaphore_mem>>
    %dma_wait3A_337 = tpu.memref_squeeze %dma_wait3A_336 : memref<1x!tpu.dma_semaphore, #tpu.memory_space<semaphore_mem>> -> memref<!tpu.dma_semaphore, #tpu.memory_space<semaphore_mem>>
    tpu.wait_indirect_dma semaphore(%dma_wait3A_337 : memref<!tpu.dma_semaphore, #tpu.memory_space<semaphore_mem>>) src(%arg6 : memref<125xi32, #tpu.memory_space<vmem>>) dst(%dma_wait3A_335 : memref<16777216xi32, #tpu.memory_space<hbm>>)
    %dma_wait3A_338 = arith.constant 2 : i32
    %dma_wait3A_339 = arith.constant 3 : i32
    %dma_wait3A_340 = arith.constant 2 : i32
    %dma_wait3A_341 = arith.constant 0 : i32
    %dma_wait3A_342 = tpu.memref_slice %arg5[%dma_wait3A_338, %dma_wait3A_339, %dma_wait3A_341] : memref<3x8x125xi32, #tpu.memory_space<vmem>> -> memref<1x1x125xi32, #tpu.memory_space<vmem>>
    %dma_wait3A_343 = tpu.memref_squeeze %dma_wait3A_342 : memref<1x1x125xi32, #tpu.memory_space<vmem>> -> memref<125xi32, #tpu.memory_space<vmem>>
    %dma_wait3A_344 = arith.constant 0 : i32
    %dma_wait3A_345 = tpu.memref_slice %arg3[%dma_wait3A_344] : memref<16777216xi32, #tpu.memory_space<hbm>> -> memref<16777216xi32, #tpu.memory_space<hbm>>
    %dma_wait3A_346 = tpu.memref_slice %arg9[%dma_wait3A_340] : memref<3x!tpu.dma_semaphore, #tpu.memory_space<semaphore_mem>> -> memref<1x!tpu.dma_semaphore, #tpu.memory_space<semaphore_mem>>
    %dma_wait3A_347 = tpu.memref_squeeze %dma_wait3A_346 : memref<1x!tpu.dma_semaphore, #tpu.memory_space<semaphore_mem>> -> memref<!tpu.dma_semaphore, #tpu.memory_space<semaphore_mem>>
    tpu.wait_indirect_dma semaphore(%dma_wait3A_347 : memref<!tpu.dma_semaphore, #tpu.memory_space<semaphore_mem>>) src(%arg6 : memref<125xi32, #tpu.memory_space<vmem>>) dst(%dma_wait3A_345 : memref<16777216xi32, #tpu.memory_space<hbm>>)
    %dma_wait3A_348 = arith.constant 2 : i32
    %dma_wait3A_349 = arith.constant 4 : i32
    %dma_wait3A_350 = arith.constant 2 : i32
    %dma_wait3A_351 = arith.constant 0 : i32
    %dma_wait3A_352 = tpu.memref_slice %arg5[%dma_wait3A_348, %dma_wait3A_349, %dma_wait3A_351] : memref<3x8x125xi32, #tpu.memory_space<vmem>> -> memref<1x1x125xi32, #tpu.memory_space<vmem>>
    %dma_wait3A_353 = tpu.memref_squeeze %dma_wait3A_352 : memref<1x1x125xi32, #tpu.memory_space<vmem>> -> memref<125xi32, #tpu.memory_space<vmem>>
    %dma_wait3A_354 = arith.constant 0 : i32
    %dma_wait3A_355 = tpu.memref_slice %arg3[%dma_wait3A_354] : memref<16777216xi32, #tpu.memory_space<hbm>> -> memref<16777216xi32, #tpu.memory_space<hbm>>
    %dma_wait3A_356 = tpu.memref_slice %arg9[%dma_wait3A_350] : memref<3x!tpu.dma_semaphore, #tpu.memory_space<semaphore_mem>> -> memref<1x!tpu.dma_semaphore, #tpu.memory_space<semaphore_mem>>
    %dma_wait3A_357 = tpu.memref_squeeze %dma_wait3A_356 : memref<1x!tpu.dma_semaphore, #tpu.memory_space<semaphore_mem>> -> memref<!tpu.dma_semaphore, #tpu.memory_space<semaphore_mem>>
    tpu.wait_indirect_dma semaphore(%dma_wait3A_357 : memref<!tpu.dma_semaphore, #tpu.memory_space<semaphore_mem>>) src(%arg6 : memref<125xi32, #tpu.memory_space<vmem>>) dst(%dma_wait3A_355 : memref<16777216xi32, #tpu.memory_space<hbm>>)
    %dma_wait3A_358 = arith.constant 2 : i32
    %dma_wait3A_359 = arith.constant 5 : i32
    %dma_wait3A_360 = arith.constant 2 : i32
    %dma_wait3A_361 = arith.constant 0 : i32
    %dma_wait3A_362 = tpu.memref_slice %arg5[%dma_wait3A_358, %dma_wait3A_359, %dma_wait3A_361] : memref<3x8x125xi32, #tpu.memory_space<vmem>> -> memref<1x1x125xi32, #tpu.memory_space<vmem>>
    %dma_wait3A_363 = tpu.memref_squeeze %dma_wait3A_362 : memref<1x1x125xi32, #tpu.memory_space<vmem>> -> memref<125xi32, #tpu.memory_space<vmem>>
    %dma_wait3A_364 = arith.constant 0 : i32
    %dma_wait3A_365 = tpu.memref_slice %arg3[%dma_wait3A_364] : memref<16777216xi32, #tpu.memory_space<hbm>> -> memref<16777216xi32, #tpu.memory_space<hbm>>
    %dma_wait3A_366 = tpu.memref_slice %arg9[%dma_wait3A_360] : memref<3x!tpu.dma_semaphore, #tpu.memory_space<semaphore_mem>> -> memref<1x!tpu.dma_semaphore, #tpu.memory_space<semaphore_mem>>
    %dma_wait3A_367 = tpu.memref_squeeze %dma_wait3A_366 : memref<1x!tpu.dma_semaphore, #tpu.memory_space<semaphore_mem>> -> memref<!tpu.dma_semaphore, #tpu.memory_space<semaphore_mem>>
    tpu.wait_indirect_dma semaphore(%dma_wait3A_367 : memref<!tpu.dma_semaphore, #tpu.memory_space<semaphore_mem>>) src(%arg6 : memref<125xi32, #tpu.memory_space<vmem>>) dst(%dma_wait3A_365 : memref<16777216xi32, #tpu.memory_space<hbm>>)
    %dma_wait3A_368 = arith.constant 2 : i32
    %dma_wait3A_369 = arith.constant 6 : i32
    %dma_wait3A_370 = arith.constant 2 : i32
    %dma_wait3A_371 = arith.constant 0 : i32
    %dma_wait3A_372 = tpu.memref_slice %arg5[%dma_wait3A_368, %dma_wait3A_369, %dma_wait3A_371] : memref<3x8x125xi32, #tpu.memory_space<vmem>> -> memref<1x1x125xi32, #tpu.memory_space<vmem>>
    %dma_wait3A_373 = tpu.memref_squeeze %dma_wait3A_372 : memref<1x1x125xi32, #tpu.memory_space<vmem>> -> memref<125xi32, #tpu.memory_space<vmem>>
    %dma_wait3A_374 = arith.constant 0 : i32
    %dma_wait3A_375 = tpu.memref_slice %arg3[%dma_wait3A_374] : memref<16777216xi32, #tpu.memory_space<hbm>> -> memref<16777216xi32, #tpu.memory_space<hbm>>
    %dma_wait3A_376 = tpu.memref_slice %arg9[%dma_wait3A_370] : memref<3x!tpu.dma_semaphore, #tpu.memory_space<semaphore_mem>> -> memref<1x!tpu.dma_semaphore, #tpu.memory_space<semaphore_mem>>
    %dma_wait3A_377 = tpu.memref_squeeze %dma_wait3A_376 : memref<1x!tpu.dma_semaphore, #tpu.memory_space<semaphore_mem>> -> memref<!tpu.dma_semaphore, #tpu.memory_space<semaphore_mem>>
    tpu.wait_indirect_dma semaphore(%dma_wait3A_377 : memref<!tpu.dma_semaphore, #tpu.memory_space<semaphore_mem>>) src(%arg6 : memref<125xi32, #tpu.memory_space<vmem>>) dst(%dma_wait3A_375 : memref<16777216xi32, #tpu.memory_space<hbm>>)
    %dma_wait3A_378 = arith.constant 2 : i32
    %dma_wait3A_379 = arith.constant 7 : i32
    %dma_wait3A_380 = arith.constant 2 : i32
    %dma_wait3A_381 = arith.constant 0 : i32
    %dma_wait3A_382 = tpu.memref_slice %arg5[%dma_wait3A_378, %dma_wait3A_379, %dma_wait3A_381] : memref<3x8x125xi32, #tpu.memory_space<vmem>> -> memref<1x1x125xi32, #tpu.memory_space<vmem>>
    %dma_wait3A_383 = tpu.memref_squeeze %dma_wait3A_382 : memref<1x1x125xi32, #tpu.memory_space<vmem>> -> memref<125xi32, #tpu.memory_space<vmem>>
    %dma_wait3A_384 = arith.constant 0 : i32
    %dma_wait3A_385 = tpu.memref_slice %arg3[%dma_wait3A_384] : memref<16777216xi32, #tpu.memory_space<hbm>> -> memref<16777216xi32, #tpu.memory_space<hbm>>
    %dma_wait3A_386 = tpu.memref_slice %arg9[%dma_wait3A_380] : memref<3x!tpu.dma_semaphore, #tpu.memory_space<semaphore_mem>> -> memref<1x!tpu.dma_semaphore, #tpu.memory_space<semaphore_mem>>
    %dma_wait3A_387 = tpu.memref_squeeze %dma_wait3A_386 : memref<1x!tpu.dma_semaphore, #tpu.memory_space<semaphore_mem>> -> memref<!tpu.dma_semaphore, #tpu.memory_space<semaphore_mem>>
    tpu.wait_indirect_dma semaphore(%dma_wait3A_387 : memref<!tpu.dma_semaphore, #tpu.memory_space<semaphore_mem>>) src(%arg6 : memref<125xi32, #tpu.memory_space<vmem>>) dst(%dma_wait3A_385 : memref<16777216xi32, #tpu.memory_space<hbm>>)
    return
  }
}

module attributes {stable_mosaic.version = 14 : i64} {
  func.func @_minmax_body(%arg0: i32, %arg1: memref<1000x125xf32, #tpu.memory_space<vmem>>, %arg2: memref<1000x125xf32, #tpu.memory_space<vmem>>, %arg3: memref<1000x125xf32, #tpu.memory_space<vmem>>, %arg4: memref<1xf32, #tpu.memory_space<smem>>, %arg5: memref<1xf32, #tpu.memory_space<smem>>, %arg6: memref<1xf32, #tpu.memory_space<smem>>, %arg7: memref<1xf32, #tpu.memory_space<smem>>, %arg8: memref<1xf32, #tpu.memory_space<smem>>, %arg9: memref<1xf32, #tpu.memory_space<smem>>) attributes {dimension_semantics = [#tpu.dimension_semantics<arbitrary>], iteration_bounds = array<i64: 16>, scalar_prefetch = 0 : i64, scratch_operands = 0 : i64, tpu.core_type = #tpu.core_type<tc>, window_params = [{transform_indices = @transform_0, window_bounds = array<i64: 1000, 125>}, {transform_indices = @transform_1, window_bounds = array<i64: 1000, 125>}, {transform_indices = @transform_2, window_bounds = array<i64: 1000, 125>}, {transform_indices = @transform_3, window_bounds = array<i64: 1>}, {transform_indices = @transform_4, window_bounds = array<i64: 1>}, {transform_indices = @transform_5, window_bounds = array<i64: 1>}, {transform_indices = @transform_6, window_bounds = array<i64: 1>}, {transform_indices = @transform_7, window_bounds = array<i64: 1>}, {transform_indices = @transform_8, window_bounds = array<i64: 1>}]} {
    %get3A = arith.constant 0 : index
    %get3A_0 = arith.constant 0 : index
    %get3A_1 = vector.load %arg1[%get3A, %get3A_0] : memref<1000x125xf32, #tpu.memory_space<vmem>>, vector<1000x125xf32>
    %get3A_2 = arith.constant 0 : index
    %get3A_3 = arith.constant 0 : index
    %get3A_4 = vector.load %arg2[%get3A_2, %get3A_3] : memref<1000x125xf32, #tpu.memory_space<vmem>>, vector<1000x125xf32>
    %get3A_5 = arith.constant 0 : index
    %get3A_6 = arith.constant 0 : index
    %get3A_7 = vector.load %arg3[%get3A_5, %get3A_6] : memref<1000x125xf32, #tpu.memory_space<vmem>>, vector<1000x125xf32>
    %eq3A = arith.constant 0 : i32
    %eq3A_8 = arith.cmpi eq, %arg0, %eq3A : i32
    %convert_element_type3A = arith.extui %eq3A_8 : i1 to i32
    %cond3A = arith.constant 0 : i32
    %cond3A_9 = arith.cmpi ne, %convert_element_type3A, %cond3A : i32
    scf.if %cond3A_9 {
      %reduce_min3A = vector.shape_cast %get3A_1 : vector<1000x125xf32> to vector<1x1000x125xf32>
      %reduce_min3A_14 = arith.constant dense<0x7F800000> : vector<1xf32>
      %reduce_min3A_15 = vector.multi_reduction <minimumf>, %reduce_min3A, %reduce_min3A_14 [1, 2] : vector<1x1000x125xf32> to vector<1xf32>
      %reduce_min3A_16 = vector.shape_cast %reduce_min3A_15 : vector<1xf32> to vector<1x1x1xf32>
      %reduce_min3A_17 = vector.extract %reduce_min3A_16[0, 0, 0] : f32 from vector<1x1x1xf32>
      %swap3A = arith.constant 0 : index
      %swap3A_18 = memref.load %arg4[%swap3A] : memref<1xf32, #tpu.memory_space<smem>>
      memref.store %reduce_min3A_17, %arg4[%swap3A] : memref<1xf32, #tpu.memory_space<smem>>
      %reduce_max3A = vector.shape_cast %get3A_1 : vector<1000x125xf32> to vector<1x1000x125xf32>
      %reduce_max3A_19 = arith.constant dense<0xFF800000> : vector<1xf32>
      %reduce_max3A_20 = vector.multi_reduction <maximumf>, %reduce_max3A, %reduce_max3A_19 [1, 2] : vector<1x1000x125xf32> to vector<1xf32>
      %reduce_max3A_21 = vector.shape_cast %reduce_max3A_20 : vector<1xf32> to vector<1x1x1xf32>
      %reduce_max3A_22 = vector.extract %reduce_max3A_21[0, 0, 0] : f32 from vector<1x1x1xf32>
      %swap3A_23 = arith.constant 0 : index
      %swap3A_24 = memref.load %arg5[%swap3A_23] : memref<1xf32, #tpu.memory_space<smem>>
      memref.store %reduce_max3A_22, %arg5[%swap3A_23] : memref<1xf32, #tpu.memory_space<smem>>
      %reduce_min3A_25 = vector.shape_cast %get3A_4 : vector<1000x125xf32> to vector<1x1000x125xf32>
      %reduce_min3A_26 = arith.constant dense<0x7F800000> : vector<1xf32>
      %reduce_min3A_27 = vector.multi_reduction <minimumf>, %reduce_min3A_25, %reduce_min3A_26 [1, 2] : vector<1x1000x125xf32> to vector<1xf32>
      %reduce_min3A_28 = vector.shape_cast %reduce_min3A_27 : vector<1xf32> to vector<1x1x1xf32>
      %reduce_min3A_29 = vector.extract %reduce_min3A_28[0, 0, 0] : f32 from vector<1x1x1xf32>
      %swap3A_30 = arith.constant 0 : index
      %swap3A_31 = memref.load %arg6[%swap3A_30] : memref<1xf32, #tpu.memory_space<smem>>
      memref.store %reduce_min3A_29, %arg6[%swap3A_30] : memref<1xf32, #tpu.memory_space<smem>>
      %reduce_max3A_32 = vector.shape_cast %get3A_4 : vector<1000x125xf32> to vector<1x1000x125xf32>
      %reduce_max3A_33 = arith.constant dense<0xFF800000> : vector<1xf32>
      %reduce_max3A_34 = vector.multi_reduction <maximumf>, %reduce_max3A_32, %reduce_max3A_33 [1, 2] : vector<1x1000x125xf32> to vector<1xf32>
      %reduce_max3A_35 = vector.shape_cast %reduce_max3A_34 : vector<1xf32> to vector<1x1x1xf32>
      %reduce_max3A_36 = vector.extract %reduce_max3A_35[0, 0, 0] : f32 from vector<1x1x1xf32>
      %swap3A_37 = arith.constant 0 : index
      %swap3A_38 = memref.load %arg7[%swap3A_37] : memref<1xf32, #tpu.memory_space<smem>>
      memref.store %reduce_max3A_36, %arg7[%swap3A_37] : memref<1xf32, #tpu.memory_space<smem>>
      %reduce_min3A_39 = vector.shape_cast %get3A_7 : vector<1000x125xf32> to vector<1x1000x125xf32>
      %reduce_min3A_40 = arith.constant dense<0x7F800000> : vector<1xf32>
      %reduce_min3A_41 = vector.multi_reduction <minimumf>, %reduce_min3A_39, %reduce_min3A_40 [1, 2] : vector<1x1000x125xf32> to vector<1xf32>
      %reduce_min3A_42 = vector.shape_cast %reduce_min3A_41 : vector<1xf32> to vector<1x1x1xf32>
      %reduce_min3A_43 = vector.extract %reduce_min3A_42[0, 0, 0] : f32 from vector<1x1x1xf32>
      %swap3A_44 = arith.constant 0 : index
      %swap3A_45 = memref.load %arg8[%swap3A_44] : memref<1xf32, #tpu.memory_space<smem>>
      memref.store %reduce_min3A_43, %arg8[%swap3A_44] : memref<1xf32, #tpu.memory_space<smem>>
      %reduce_max3A_46 = vector.shape_cast %get3A_7 : vector<1000x125xf32> to vector<1x1000x125xf32>
      %reduce_max3A_47 = arith.constant dense<0xFF800000> : vector<1xf32>
      %reduce_max3A_48 = vector.multi_reduction <maximumf>, %reduce_max3A_46, %reduce_max3A_47 [1, 2] : vector<1x1000x125xf32> to vector<1xf32>
      %reduce_max3A_49 = vector.shape_cast %reduce_max3A_48 : vector<1xf32> to vector<1x1x1xf32>
      %reduce_max3A_50 = vector.extract %reduce_max3A_49[0, 0, 0] : f32 from vector<1x1x1xf32>
      %swap3A_51 = arith.constant 0 : index
      %swap3A_52 = memref.load %arg9[%swap3A_51] : memref<1xf32, #tpu.memory_space<smem>>
      memref.store %reduce_max3A_50, %arg9[%swap3A_51] : memref<1xf32, #tpu.memory_space<smem>>
    } else {
    }
    %ne3A = arith.constant 0 : i32
    %ne3A_10 = arith.cmpi ne, %arg0, %ne3A : i32
    %convert_element_type3A_11 = arith.extui %ne3A_10 : i1 to i32
    %cond3A_12 = arith.constant 0 : i32
    %cond3A_13 = arith.cmpi ne, %convert_element_type3A_11, %cond3A_12 : i32
    scf.if %cond3A_13 {
      %get3A_14 = arith.constant 0 : index
      %get3A_15 = memref.load %arg4[%get3A_14] : memref<1xf32, #tpu.memory_space<smem>>
      %reduce_min3A = vector.shape_cast %get3A_1 : vector<1000x125xf32> to vector<1x1000x125xf32>
      %reduce_min3A_16 = arith.constant dense<0x7F800000> : vector<1xf32>
      %reduce_min3A_17 = vector.multi_reduction <minimumf>, %reduce_min3A, %reduce_min3A_16 [1, 2] : vector<1x1000x125xf32> to vector<1xf32>
      %reduce_min3A_18 = vector.shape_cast %reduce_min3A_17 : vector<1xf32> to vector<1x1x1xf32>
      %reduce_min3A_19 = vector.extract %reduce_min3A_18[0, 0, 0] : f32 from vector<1x1x1xf32>
      %min3A = arith.minimumf %get3A_15, %reduce_min3A_19 : f32
      %swap3A = arith.constant 0 : index
      %swap3A_20 = memref.load %arg4[%swap3A] : memref<1xf32, #tpu.memory_space<smem>>
      memref.store %min3A, %arg4[%swap3A] : memref<1xf32, #tpu.memory_space<smem>>
      %get3A_21 = arith.constant 0 : index
      %get3A_22 = memref.load %arg5[%get3A_21] : memref<1xf32, #tpu.memory_space<smem>>
      %reduce_max3A = vector.shape_cast %get3A_1 : vector<1000x125xf32> to vector<1x1000x125xf32>
      %reduce_max3A_23 = arith.constant dense<0xFF800000> : vector<1xf32>
      %reduce_max3A_24 = vector.multi_reduction <maximumf>, %reduce_max3A, %reduce_max3A_23 [1, 2] : vector<1x1000x125xf32> to vector<1xf32>
      %reduce_max3A_25 = vector.shape_cast %reduce_max3A_24 : vector<1xf32> to vector<1x1x1xf32>
      %reduce_max3A_26 = vector.extract %reduce_max3A_25[0, 0, 0] : f32 from vector<1x1x1xf32>
      %max3A = arith.maximumf %get3A_22, %reduce_max3A_26 : f32
      %swap3A_27 = arith.constant 0 : index
      %swap3A_28 = memref.load %arg5[%swap3A_27] : memref<1xf32, #tpu.memory_space<smem>>
      memref.store %max3A, %arg5[%swap3A_27] : memref<1xf32, #tpu.memory_space<smem>>
      %get3A_29 = arith.constant 0 : index
      %get3A_30 = memref.load %arg6[%get3A_29] : memref<1xf32, #tpu.memory_space<smem>>
      %reduce_min3A_31 = vector.shape_cast %get3A_4 : vector<1000x125xf32> to vector<1x1000x125xf32>
      %reduce_min3A_32 = arith.constant dense<0x7F800000> : vector<1xf32>
      %reduce_min3A_33 = vector.multi_reduction <minimumf>, %reduce_min3A_31, %reduce_min3A_32 [1, 2] : vector<1x1000x125xf32> to vector<1xf32>
      %reduce_min3A_34 = vector.shape_cast %reduce_min3A_33 : vector<1xf32> to vector<1x1x1xf32>
      %reduce_min3A_35 = vector.extract %reduce_min3A_34[0, 0, 0] : f32 from vector<1x1x1xf32>
      %min3A_36 = arith.minimumf %get3A_30, %reduce_min3A_35 : f32
      %swap3A_37 = arith.constant 0 : index
      %swap3A_38 = memref.load %arg6[%swap3A_37] : memref<1xf32, #tpu.memory_space<smem>>
      memref.store %min3A_36, %arg6[%swap3A_37] : memref<1xf32, #tpu.memory_space<smem>>
      %get3A_39 = arith.constant 0 : index
      %get3A_40 = memref.load %arg7[%get3A_39] : memref<1xf32, #tpu.memory_space<smem>>
      %reduce_max3A_41 = vector.shape_cast %get3A_4 : vector<1000x125xf32> to vector<1x1000x125xf32>
      %reduce_max3A_42 = arith.constant dense<0xFF800000> : vector<1xf32>
      %reduce_max3A_43 = vector.multi_reduction <maximumf>, %reduce_max3A_41, %reduce_max3A_42 [1, 2] : vector<1x1000x125xf32> to vector<1xf32>
      %reduce_max3A_44 = vector.shape_cast %reduce_max3A_43 : vector<1xf32> to vector<1x1x1xf32>
      %reduce_max3A_45 = vector.extract %reduce_max3A_44[0, 0, 0] : f32 from vector<1x1x1xf32>
      %max3A_46 = arith.maximumf %get3A_40, %reduce_max3A_45 : f32
      %swap3A_47 = arith.constant 0 : index
      %swap3A_48 = memref.load %arg7[%swap3A_47] : memref<1xf32, #tpu.memory_space<smem>>
      memref.store %max3A_46, %arg7[%swap3A_47] : memref<1xf32, #tpu.memory_space<smem>>
      %get3A_49 = arith.constant 0 : index
      %get3A_50 = memref.load %arg8[%get3A_49] : memref<1xf32, #tpu.memory_space<smem>>
      %reduce_min3A_51 = vector.shape_cast %get3A_7 : vector<1000x125xf32> to vector<1x1000x125xf32>
      %reduce_min3A_52 = arith.constant dense<0x7F800000> : vector<1xf32>
      %reduce_min3A_53 = vector.multi_reduction <minimumf>, %reduce_min3A_51, %reduce_min3A_52 [1, 2] : vector<1x1000x125xf32> to vector<1xf32>
      %reduce_min3A_54 = vector.shape_cast %reduce_min3A_53 : vector<1xf32> to vector<1x1x1xf32>
      %reduce_min3A_55 = vector.extract %reduce_min3A_54[0, 0, 0] : f32 from vector<1x1x1xf32>
      %min3A_56 = arith.minimumf %get3A_50, %reduce_min3A_55 : f32
      %swap3A_57 = arith.constant 0 : index
      %swap3A_58 = memref.load %arg8[%swap3A_57] : memref<1xf32, #tpu.memory_space<smem>>
      memref.store %min3A_56, %arg8[%swap3A_57] : memref<1xf32, #tpu.memory_space<smem>>
      %get3A_59 = arith.constant 0 : index
      %get3A_60 = memref.load %arg9[%get3A_59] : memref<1xf32, #tpu.memory_space<smem>>
      %reduce_max3A_61 = vector.shape_cast %get3A_7 : vector<1000x125xf32> to vector<1x1000x125xf32>
      %reduce_max3A_62 = arith.constant dense<0xFF800000> : vector<1xf32>
      %reduce_max3A_63 = vector.multi_reduction <maximumf>, %reduce_max3A_61, %reduce_max3A_62 [1, 2] : vector<1x1000x125xf32> to vector<1xf32>
      %reduce_max3A_64 = vector.shape_cast %reduce_max3A_63 : vector<1xf32> to vector<1x1x1xf32>
      %reduce_max3A_65 = vector.extract %reduce_max3A_64[0, 0, 0] : f32 from vector<1x1x1xf32>
      %max3A_66 = arith.maximumf %get3A_60, %reduce_max3A_65 : f32
      %swap3A_67 = arith.constant 0 : index
      %swap3A_68 = memref.load %arg9[%swap3A_67] : memref<1xf32, #tpu.memory_space<smem>>
      memref.store %max3A_66, %arg9[%swap3A_67] : memref<1xf32, #tpu.memory_space<smem>>
    } else {
    }
    return
  }
  func.func @transform_0(%arg0: i32) -> (i32, i32) {
    %c0_i32 = arith.constant 0 : i32
    %c0_i32_0 = arith.constant 0 : i32
    return %arg0, %c0_i32 : i32, i32
  }
  func.func @transform_1(%arg0: i32) -> (i32, i32) {
    %c0_i32 = arith.constant 0 : i32
    %c0_i32_0 = arith.constant 0 : i32
    return %arg0, %c0_i32 : i32, i32
  }
  func.func @transform_2(%arg0: i32) -> (i32, i32) {
    %c0_i32 = arith.constant 0 : i32
    %c0_i32_0 = arith.constant 0 : i32
    return %arg0, %c0_i32 : i32, i32
  }
  func.func @transform_3(%arg0: i32) -> i32 {
    %c0_i32 = arith.constant 0 : i32
    %c0_i32_0 = arith.constant 0 : i32
    return %c0_i32 : i32
  }
  func.func @transform_4(%arg0: i32) -> i32 {
    %c0_i32 = arith.constant 0 : i32
    %c0_i32_0 = arith.constant 0 : i32
    return %c0_i32 : i32
  }
  func.func @transform_5(%arg0: i32) -> i32 {
    %c0_i32 = arith.constant 0 : i32
    %c0_i32_0 = arith.constant 0 : i32
    return %c0_i32 : i32
  }
  func.func @transform_6(%arg0: i32) -> i32 {
    %c0_i32 = arith.constant 0 : i32
    %c0_i32_0 = arith.constant 0 : i32
    return %c0_i32 : i32
  }
  func.func @transform_7(%arg0: i32) -> i32 {
    %c0_i32 = arith.constant 0 : i32
    %c0_i32_0 = arith.constant 0 : i32
    return %c0_i32 : i32
  }
  func.func @transform_8(%arg0: i32) -> i32 {
    %c0_i32 = arith.constant 0 : i32
    %c0_i32_0 = arith.constant 0 : i32
    return %c0_i32 : i32
  }
}

module attributes {stable_mosaic.version = 14 : i64} {
  func.func @_quant_body(%arg0: i32, %arg1: memref<3xf32, #tpu.memory_space<smem>>, %arg2: memref<3xf32, #tpu.memory_space<smem>>, %arg3: memref<1000x125xf32, #tpu.memory_space<vmem>>, %arg4: memref<1000x125xf32, #tpu.memory_space<vmem>>, %arg5: memref<1000x125xf32, #tpu.memory_space<vmem>>, %arg6: memref<1000x125xi32, #tpu.memory_space<vmem>>) attributes {dimension_semantics = [#tpu.dimension_semantics<arbitrary>], iteration_bounds = array<i64: 16>, scalar_prefetch = 0 : i64, scratch_operands = 0 : i64, tpu.core_type = #tpu.core_type<tc>, window_params = [{transform_indices = @transform_0, window_bounds = array<i64: 3>}, {transform_indices = @transform_1, window_bounds = array<i64: 3>}, {transform_indices = @transform_2, window_bounds = array<i64: 1000, 125>}, {transform_indices = @transform_3, window_bounds = array<i64: 1000, 125>}, {transform_indices = @transform_4, window_bounds = array<i64: 1000, 125>}, {transform_indices = @transform_5, window_bounds = array<i64: 1000, 125>}]} {
    %get3A = arith.constant 0 : index
    %get3A_0 = arith.constant 0 : index
    %get3A_1 = vector.load %arg3[%get3A, %get3A_0] : memref<1000x125xf32, #tpu.memory_space<vmem>>, vector<1000x125xf32>
    %get3A_2 = arith.constant 0 : index
    %get3A_3 = memref.load %arg1[%get3A_2] : memref<3xf32, #tpu.memory_space<smem>>
    %sub3A = vector.broadcast %get3A_3 : f32 to vector<1000x125xf32>
    %sub3A_4 = arith.subf %get3A_1, %sub3A : vector<1000x125xf32>
    %get3A_5 = arith.constant 0 : index
    %get3A_6 = memref.load %arg2[%get3A_5] : memref<3xf32, #tpu.memory_space<smem>>
    %div3A = vector.broadcast %get3A_6 : f32 to vector<1000x125xf32>
    %div3A_7 = arith.divf %sub3A_4, %div3A : vector<1000x125xf32>
    %mul3A = arith.constant 2.550000e+02 : f32
    %mul3A_8 = vector.broadcast %mul3A : f32 to vector<1000x125xf32>
    %mul3A_9 = arith.mulf %div3A_7, %mul3A_8 : vector<1000x125xf32>
    %jit3A = arith.constant 0.000000e+00 : f32
    %jit3A_10 = arith.constant 2.550000e+02 : f32
    %max3A = vector.broadcast %jit3A : f32 to vector<1000x125xf32>
    %max3A_11 = arith.maximumf %max3A, %mul3A_9 : vector<1000x125xf32>
    %min3A = vector.broadcast %jit3A_10 : f32 to vector<1000x125xf32>
    %min3A_12 = arith.minimumf %min3A, %max3A_11 : vector<1000x125xf32>
    %floor3A = math.floor %min3A_12 : vector<1000x125xf32>
    %convert_element_type3A = arith.fptosi %floor3A : vector<1000x125xf32> to vector<1000x125xi32>
    %get3A_13 = arith.constant 0 : index
    %get3A_14 = arith.constant 0 : index
    %get3A_15 = vector.load %arg4[%get3A_13, %get3A_14] : memref<1000x125xf32, #tpu.memory_space<vmem>>, vector<1000x125xf32>
    %get3A_16 = arith.constant 1 : index
    %get3A_17 = memref.load %arg1[%get3A_16] : memref<3xf32, #tpu.memory_space<smem>>
    %sub3A_18 = vector.broadcast %get3A_17 : f32 to vector<1000x125xf32>
    %sub3A_19 = arith.subf %get3A_15, %sub3A_18 : vector<1000x125xf32>
    %get3A_20 = arith.constant 1 : index
    %get3A_21 = memref.load %arg2[%get3A_20] : memref<3xf32, #tpu.memory_space<smem>>
    %div3A_22 = vector.broadcast %get3A_21 : f32 to vector<1000x125xf32>
    %div3A_23 = arith.divf %sub3A_19, %div3A_22 : vector<1000x125xf32>
    %mul3A_24 = arith.constant 2.550000e+02 : f32
    %mul3A_25 = vector.broadcast %mul3A_24 : f32 to vector<1000x125xf32>
    %mul3A_26 = arith.mulf %div3A_23, %mul3A_25 : vector<1000x125xf32>
    %jit3A_27 = arith.constant 0.000000e+00 : f32
    %jit3A_28 = arith.constant 2.550000e+02 : f32
    %max3A_29 = vector.broadcast %jit3A_27 : f32 to vector<1000x125xf32>
    %max3A_30 = arith.maximumf %max3A_29, %mul3A_26 : vector<1000x125xf32>
    %min3A_31 = vector.broadcast %jit3A_28 : f32 to vector<1000x125xf32>
    %min3A_32 = arith.minimumf %min3A_31, %max3A_30 : vector<1000x125xf32>
    %floor3A_33 = math.floor %min3A_32 : vector<1000x125xf32>
    %convert_element_type3A_34 = arith.fptosi %floor3A_33 : vector<1000x125xf32> to vector<1000x125xi32>
    %get3A_35 = arith.constant 0 : index
    %get3A_36 = arith.constant 0 : index
    %get3A_37 = vector.load %arg5[%get3A_35, %get3A_36] : memref<1000x125xf32, #tpu.memory_space<vmem>>, vector<1000x125xf32>
    %get3A_38 = arith.constant 2 : index
    %get3A_39 = memref.load %arg1[%get3A_38] : memref<3xf32, #tpu.memory_space<smem>>
    %sub3A_40 = vector.broadcast %get3A_39 : f32 to vector<1000x125xf32>
    %sub3A_41 = arith.subf %get3A_37, %sub3A_40 : vector<1000x125xf32>
    %get3A_42 = arith.constant 2 : index
    %get3A_43 = memref.load %arg2[%get3A_42] : memref<3xf32, #tpu.memory_space<smem>>
    %div3A_44 = vector.broadcast %get3A_43 : f32 to vector<1000x125xf32>
    %div3A_45 = arith.divf %sub3A_41, %div3A_44 : vector<1000x125xf32>
    %mul3A_46 = arith.constant 2.550000e+02 : f32
    %mul3A_47 = vector.broadcast %mul3A_46 : f32 to vector<1000x125xf32>
    %mul3A_48 = arith.mulf %div3A_45, %mul3A_47 : vector<1000x125xf32>
    %jit3A_49 = arith.constant 0.000000e+00 : f32
    %jit3A_50 = arith.constant 2.550000e+02 : f32
    %max3A_51 = vector.broadcast %jit3A_49 : f32 to vector<1000x125xf32>
    %max3A_52 = arith.maximumf %max3A_51, %mul3A_48 : vector<1000x125xf32>
    %min3A_53 = vector.broadcast %jit3A_50 : f32 to vector<1000x125xf32>
    %min3A_54 = arith.minimumf %min3A_53, %max3A_52 : vector<1000x125xf32>
    %floor3A_55 = math.floor %min3A_54 : vector<1000x125xf32>
    %convert_element_type3A_56 = arith.fptosi %floor3A_55 : vector<1000x125xf32> to vector<1000x125xi32>
    %shift_left3A = arith.constant 16 : i32
    %shift_left3A_57 = vector.broadcast %shift_left3A : i32 to vector<1000x125xi32>
    %shift_left3A_58 = arith.shli %convert_element_type3A, %shift_left3A_57 : vector<1000x125xi32>
    %shift_left3A_59 = arith.constant 8 : i32
    %shift_left3A_60 = vector.broadcast %shift_left3A_59 : i32 to vector<1000x125xi32>
    %shift_left3A_61 = arith.shli %convert_element_type3A_34, %shift_left3A_60 : vector<1000x125xi32>
    %or3A = arith.ori %shift_left3A_58, %shift_left3A_61 : vector<1000x125xi32>
    %or3A_62 = arith.ori %or3A, %convert_element_type3A_56 : vector<1000x125xi32>
    %swap3A = arith.constant 0 : index
    %swap3A_63 = arith.constant 0 : index
    %swap3A_64 = vector.load %arg6[%swap3A, %swap3A_63] : memref<1000x125xi32, #tpu.memory_space<vmem>>, vector<1000x125xi32>
    tpu.vector_store %arg6[%swap3A, %swap3A_63], %or3A_62 {strides = array<i32>} : memref<1000x125xi32, #tpu.memory_space<vmem>>, vector<1000x125xi32>,
    return
  }
  func.func @transform_0(%arg0: i32) -> i32 {
    %c0_i32 = arith.constant 0 : i32
    %c0_i32_0 = arith.constant 0 : i32
    return %c0_i32 : i32
  }
  func.func @transform_1(%arg0: i32) -> i32 {
    %c0_i32 = arith.constant 0 : i32
    %c0_i32_0 = arith.constant 0 : i32
    return %c0_i32 : i32
  }
  func.func @transform_2(%arg0: i32) -> (i32, i32) {
    %c0_i32 = arith.constant 0 : i32
    %c0_i32_0 = arith.constant 0 : i32
    return %arg0, %c0_i32 : i32, i32
  }
  func.func @transform_3(%arg0: i32) -> (i32, i32) {
    %c0_i32 = arith.constant 0 : i32
    %c0_i32_0 = arith.constant 0 : i32
    return %arg0, %c0_i32 : i32, i32
  }
  func.func @transform_4(%arg0: i32) -> (i32, i32) {
    %c0_i32 = arith.constant 0 : i32
    %c0_i32_0 = arith.constant 0 : i32
    return %arg0, %c0_i32 : i32, i32
  }
  func.func @transform_5(%arg0: i32) -> (i32, i32) {
    %c0_i32 = arith.constant 0 : i32
    %c0_i32_0 = arith.constant 0 : i32
    return %arg0, %c0_i32 : i32, i32
  }
}

module attributes {stable_mosaic.version = 14 : i64} {
  func.func @_tobool_body(%arg0: i32, %arg1: memref<512x4096xi32, #tpu.memory_space<vmem>>, %arg2: memref<512x4096xi32, #tpu.memory_space<vmem>>) attributes {dimension_semantics = [#tpu.dimension_semantics<arbitrary>], iteration_bounds = array<i64: 8>, scalar_prefetch = 0 : i64, scratch_operands = 0 : i64, tpu.core_type = #tpu.core_type<tc>, window_params = [{transform_indices = @transform_0, window_bounds = array<i64: 512, 4096>}, {transform_indices = @transform_1, window_bounds = array<i64: 512, 4096>}]} {
    %get3A = arith.constant 0 : index
    %get3A_0 = arith.constant 0 : index
    %get3A_1 = vector.load %arg1[%get3A, %get3A_0] : memref<512x4096xi32, #tpu.memory_space<vmem>>, vector<512x4096xi32>
    %ne3A = arith.constant 0 : i32
    %ne3A_2 = vector.broadcast %ne3A : i32 to vector<512x4096xi32>
    %ne3A_3 = arith.cmpi ne, %get3A_1, %ne3A_2 : vector<512x4096xi32>
    %swap3A = arith.constant 0 : index
    %swap3A_4 = arith.constant 0 : index
    %swap3A_5 = vector.load %arg2[%swap3A, %swap3A_4] : memref<512x4096xi32, #tpu.memory_space<vmem>>, vector<512x4096xi32>
    %swap3A_6 = arith.extui %ne3A_3 : vector<512x4096xi1> to vector<512x4096xi32>
    %swap3A_7 = arith.constant dense<0> : vector<512x4096xi32>
    %swap3A_8 = arith.cmpi ne, %swap3A_5, %swap3A_7 : vector<512x4096xi32>
    tpu.vector_store %arg2[%swap3A, %swap3A_4], %swap3A_6 {strides = array<i32>} : memref<512x4096xi32, #tpu.memory_space<vmem>>, vector<512x4096xi32>,
    return
  }
  func.func @transform_0(%arg0: i32) -> (i32, i32) {
    %c0_i32 = arith.constant 0 : i32
    %c0_i32_0 = arith.constant 0 : i32
    return %arg0, %c0_i32 : i32, i32
  }
  func.func @transform_1(%arg0: i32) -> (i32, i32) {
    %c0_i32 = arith.constant 0 : i32
    %c0_i32_0 = arith.constant 0 : i32
    return %arg0, %c0_i32 : i32, i32
  }
}

</mosaic_0001>

<sc_bundles>
// kernel: kernel.6.cloned.1.call-start
scs
__scs_entry_jumppad:
0x0: {  	(pc) =	sbr.rel $0x88, $3  }
0x1: {  	(tag) =	ssettag $0x0;
	lr =	simm.s32 $0x1  }
0x2: {  	[smem:$0x3FA0] =	sst lr;
	_ =	strace $0xD0000000  }
0x3: {  	_ = 	snop  }
0x4: {  	_ = 	snop  }
0x5: {  	_ = 	snop  }
0x6: {  	_ = 	snop  }
0x7: {  	_ = 	snop  }
__scs_overlays_trampoline_lowered:
0x8: {  	[smem:$0x3FAF] =	sst s0  }
0x9: {  	[smem:$0x3FB0] =	sst s1  }
0xa: {  	[smem:$0x3FB1] =	sst s2  }
0xb: {  	[smem:$0x3FB2] =	sst s3  }
0xc: {  	[smem:$0x3FB3] =	sst s4  }
0xd: {  	[smem:$0x3FB4] =	sst s5  }
0xe: {  	[smem:$0x3FB5] =	sst s6  }
0xf: {  	[smem:$0x3FB6] =	sst s7  }
0x10: {  	[smem:$0x3FB7] =	sst s8  }
0x11: {  	[smem:$0x3FB8] =	sst s9;
	s0 =	simm.s32 @!p0 $0x0  }
0x12: {  	s1 =	sld [smem:$0x3F9E];
	s0 =	simm.s32 @p0 $0x1  }
0x13: {  	[smem:$0x3FB9] =	sst s0;
	s0 =	simm.s32 @!p1 $0x0  }
0x14: {  	s2 =	sld [smem:$0x3F9D];
	s0 =	simm.s32 @p1 $0x1  }
0x15: {  	[smem:$0x3FBA] =	sst s0;
	s0 =	simm.s32 @!p2 $0x0  }
0x16: {  	s3 =	sld [smem:$0x3FDB];
	s0 =	simm.s32 @p2 $0x1  }
0x17: {  	s4 =	simm.s32 $0x1BF5;
	[smem:$0x3FBC] =	sst s0  }
0x18: {  	s0 =	sld [smem:$0x3F9F];
	_ =	swait.ge [sflag:s4], $0x0  }
0x19: {  	s7 =	sld [smem:$0x3FA0]  }
0x1a: {  	s8 =	sadd.s32 $0xFFFFE003, lr  }
0x1b: {  	s9 =	sadd.s32 $0xFFFFFEF7, lr;
	s5 =	simm.s32 $0xFFFFFFFF;
	p2 =	slt.u32 s8, $0xFFFFF086  }
0x1c: {  	p1 =	slt.u32 s9, $0xF7A;
	s5 =	simm.s32 @!p2 $0x0  }
0x1d: {  	s5 =	simm.s32 @p1 $0x1;
	p0 =	seq.s32 s7, s2  }
0x1e: {  	s7 =	smul.u32 @!p0 $0xF7A, s2;
	p2 =	seq.s32 @!p0 s5, $0x0  }
0x1f: {  	s9 =	smul.u32 $0xF7A, s1;
	s8 =	simm.s32 @!p0 $0x1BF5;
	p2 =	por !p2, p0  }
0x20: {  	[sflag:s8] =	ssyncset.s32 @!p0 $0xFFFFF086;
	s6 =	sadd.s32 @!p0 s3, s7;
	s7 =	simm.s32 @!p0 $0x108  }
0x21: {  	s3 =	sadd.s32 s3, s9;
	s6 =	sadd.s32 @!p0 $0x88, s6;
	s7 =	simm.s32 @p2 $0x1082  }
0x22: {  	[simem:s7], [sflag:s8] =	dma.local @!p0 [hbm:s6], $0xF7A  }
0x23: {  	s9 =	sor.u32 $0xD0000000, s2;
	s6 =	simm.s32 $0x108;
	_ =	swait.ge @!p0 [sflag:s8], $0x0  }
0x24: {  	s3 =	sadd.s32 $0x88, s3;
	s6 =	simm.s32 @!p1 $0x1082;
	[sflag:s4] =	ssyncset.s32 $0xFFFFF086  }
0x25: {  	[simem:s6], [sflag:s4] =	dma.local [hbm:s3], $0xF7A  }
0x26: {  	[smem:$0x3FA0] =	sst s1;
	(tag) =	ssettag s2;
	_ =	strace s9  }
0x27: {  	s1 =	sld [smem:$0x3FB0]  }
0x28: {  	s2 =	sld [smem:$0x3FB1]  }
0x29: {  	s4 =	sld [smem:$0x3FB3]  }
0x2a: {  	p0 =	seq.s32 s5, $0x0;
	s5 =	sld [smem:$0x3FB4]  }
0x2b: {  	s6 =	sld [smem:$0x3FB5]  }
0x2c: {  	s7 =	sld [smem:$0x3FB6]  }
0x2d: {  	s3 =	simm.s32 $0x108;
	s8 =	sld [smem:$0x3FB7]  }
0x2e: {  	s3 =	simm.s32 @!p0 $0x1082;
	s9 =	sld [smem:$0x3FB8]  }
0x2f: {  	lr =	sadd.s32 s0, s3;
	s0 =	sld [smem:$0x3FAF]  }
0x30: {  	s3 =	sld [smem:$0x3FB2]  }
0x31: {  	[smem:$0x3FBB] =	sst s10  }
0x32: {  	s10 =	sld [smem:$0x3FB9];
	_ =	sdelay $0x3  }
0x33: {  	p0 =	seq.s32 s10, $0x1;
	s10 =	sld [smem:$0x3FBB];
	_ =	sdelay $0x3  }
0x34: {  	[smem:$0x3FBB] =	sst s10  }
0x35: {  	s10 =	sld [smem:$0x3FBA];
	_ =	sdelay $0x3  }
0x36: {  	p1 =	seq.s32 s10, $0x1;
	s10 =	sld [smem:$0x3FBB];
	_ =	sdelay $0x3  }
0x37: {  	[smem:$0x3FBB] =	sst s10  }
0x38: {  	s10 =	sld [smem:$0x3FBC]  }
0x39: {  	_ = 	snop;
	(pc) =	sbr.ind lr, $3  }
0x3a: {  	_ = 	snop  }
0x3b: {  	_ = 	snop  }
0x3c: {  	p2 =	seq.s32 s10, $0x1;
	s10 =	sld [smem:$0x3FBB]  }
0x3d: {  	_ =	shalt  }
0x3e: {  	_ =	shalt  }
0x3f: {  	_ =	shalt  }
0x40: {  	_ =	shalt  }
0x41: {  	_ =	shalt  }
0x42: {  	_ =	shalt  }
0x43: {  	_ =	shalt  }
0x44: {  	_ =	shalt  }
0x45: {  	_ =	shalt  }
0x46: {  	_ =	shalt  }
0x47: {  	_ =	shalt  }
0x48: {  	_ =	shalt  }
0x49: {  	_ =	shalt  }
0x4a: {  	_ =	shalt  }
0x4b: {  	_ =	shalt  }
0x4c: {  	_ =	shalt  }
0x4d: {  	_ =	shalt  }
0x4e: {  	_ =	shalt  }
0x4f: {  	_ =	shalt  }
0x50: {  	_ =	shalt  }
0x51: {  	_ =	shalt  }
0x52: {  	_ =	shalt  }
0x53: {  	_ =	shalt  }
0x54: {  	_ =	shalt  }
0x55: {  	_ =	shalt  }
0x56: {  	_ =	shalt  }
0x57: {  	_ =	shalt  }
0x58: {  	_ =	shalt  }
0x59: {  	_ =	shalt  }
0x5a: {  	_ =	shalt  }
0x5b: {  	_ =	shalt  }
0x5c: {  	_ =	shalt  }
0x5d: {  	_ =	shalt  }
0x5e: {  	_ =	shalt  }
0x5f: {  	_ =	shalt  }
0x60: {  	_ =	shalt  }
0x61: {  	_ =	shalt  }
0x62: {  	_ =	shalt  }
0x63: {  	_ =	shalt  }
0x64: {  	_ =	shalt  }
0x65: {  	_ =	shalt  }
0x66: {  	_ =	shalt  }
0x67: {  	_ =	shalt  }
0x68: {  	_ =	shalt  }
0x69: {  	_ =	shalt  }
0x6a: {  	_ =	shalt  }
0x6b: {  	_ =	shalt  }
0x6c: {  	_ =	shalt  }
0x6d: {  	_ =	shalt  }
0x6e: {  	_ =	shalt  }
0x6f: {  	_ =	shalt  }
0x70: {  	_ =	shalt  }
0x71: {  	_ =	shalt  }
0x72: {  	_ =	shalt  }
0x73: {  	_ =	shalt  }
0x74: {  	_ =	shalt  }
0x75: {  	_ =	shalt  }
0x76: {  	_ =	shalt  }
0x77: {  	_ =	shalt  }
0x78: {  	_ =	shalt  }
0x79: {  	_ =	shalt  }
0x7a: {  	_ =	shalt  }
0x7b: {  	_ =	shalt  }
0x7c: {  	_ =	shalt  }
0x7d: {  	_ =	shalt  }
0x7e: {  	_ =	shalt  }
0x7f: {  	_ =	shalt  }
0x80: {  	_ =	shalt  }
0x81: {  	_ =	shalt  }
0x82: {  	_ =	shalt  }
0x83: {  	_ =	shalt  }
0x84: {  	_ =	shalt  }
0x85: {  	_ =	shalt  }
0x86: {  	_ =	shalt  }
0x87: {  	_ =	shalt  }
.Lfunc_end0:
.L_simem_size_0:
called_computation_lowered:
.L_overlay_start_0:
0x88: {  	s2 =	sld [smem:$0x3FD9]  }
0x89: {  	s3 =	sld [smem:$0x3FFE];
	_ =	sdelay $0x1  }
0x8a: {  	s1 =	srdreg.scid  }
0x8b: {  	s0 =	sand.u32 $0x1, s1  }
0x8c: {  	s14 =	sshll.u32 s0, $0xA;
	s2 =	sadd.s32 s3, s2  }
0x8d: {  	s2 =	sadd.s32 s2, s14  }
0x8e: {  	[smem:$0x3FC7] =	sst s2  }
0x8f: {  	_ = 	snop  }
0x90: {  	s2 =	sld [smem:$0x3FD0];
	_ =	sdelay $0x2  }
0x91: {  	s15 =	simm.s32 $0xA;
	s4 =	simm.s32 $0x10  }
0x92: {  	[smem:s4], [sflag:s15] =	dma.local [hbm:s2], $0x1  }
0x93: {  	_ =	swait.eq [sflag:s15], $0x1  }
0x94: {  	[sflag:s15] =	ssyncset.done $0x0  }
0x95: {  	[sflag:s15] =	ssyncadd.s32 $0xFFFFFFFF  }
0x96: {  	s16 =	sld [smem:$0x10];
	(tm) =	ssettm $0x1  }
0x97: {  	s17 =	sld [smem:$0x3FFB];
	_ =	sdelay $0x3  }
0x98: {  	_ =	strace s17  }
0x99: {  	s3 =	sld [smem:$0x3FFC];
	_ =	sdelay $0x3  }
0x9a: {  	_ =	strace s3  }
0x9b: {  	s3 =	sld [smem:$0x3FFD];
	_ =	sdelay $0x3  }
0x9c: {  	_ =	strace s3  }
0x9d: {  	_ =	strace $0x8FFFFFFF  }
0x9e: {  	s18 =	sld [smem:$0x3FDB];
	_ =	sdelay $0x1  }
0x9f: {  	s19 =	simm.s32 $_scs_section_size  }
0xa0: {  	s5 =	simm.s32 $_size__tile_overlayer_lowered;
	s6 =	simm.s32 $_tile_overlayer_lowered  }
0xa1: {  	s22 =	simm.s32 $0x1BFF;
	s21 =	sshll.u32 s6, $0x1;
	s3 =	sadd.s32 s19, s18  }
0xa2: {  	s7 =	simm.s32 $0x0;
	s20 =	sshll.u32 s5, $0x1;
	s5 =	sadd.s32 s21, s3  }
0xa3: {  	[timem:s7], [sflag:s22] =	dma.local [hbm:s5], s20  }
0xa4: {  	_ =	swait.ge [sflag:s22], s20  }
0xa5: {  	s4 =	ssub.s32 $0x0, s20;
	[sflag:s22] =	ssyncset.done $0x0  }
0xa6: {  	[sflag:s22] =	ssyncadd.s32 s4;
	_ =	sdelay $0x1  }
0xa7: {  	s23 =	simm.s32 $0x1B8B  }
0xa8: {  	_ =	swait.ge [sflag:s23], $0x1  }
0xa9: {  	[sflag:s23] =	ssyncset.done $0x0  }
0xaa: {  	s25 =	simm.s32 $0x1B8E;
	s24 =	sld [smem:$0x3FFE];
	[sflag:s23] =	ssyncadd.s32 $0xFFFFFFFF  }
0xab: {  	s26 =	simm.s32 $execute0_lowered;
	[smem:$0x3FD2] =	sst s25  }
0xac: {  	s5 =	sshll.u32 s26, $0x1;
	_ =	strace $0x80000046;
	[dreg:$0x1] =	wrdreg $0xFFFFFFFF  }
0xad: {  	s28 =	simm.s32 $_size_execute0_lowered;
	s3 =	sadd.s32 s3, s5;
	[dreg:$0x0] =	wrdreg $0x0  }
0xae: {  	s5 =	sshll.u32 s28, $0x1;
	[dreg:$0x2] =	wrdreg s3  }
0xaf: {  	[dreg:$0x3] =	wrdreg s5  }
0xb0: {  	[dreg:$0x4] =	wrdreg $0xC0  }
0xb1: {  	_ =	task [dreg:s7], $0x5FFFF  }
0xb2: {  	[dreg:$0x1] =	wrdreg $0xFFFFFFFF  }
0xb3: {  	[dreg:$0x0] =	wrdreg $0x60  }
0xb4: {  	[dreg:$0x2] =	wrdreg s16  }
0xb5: {  	[dreg:$0x3] =	wrdreg s24  }
0xb6: {  	[dreg:$0x4] =	wrdreg $0x9  }
0xb7: {  	_ =	task.clear_ibuf [dreg:s7], $0x5FFFF;
	_ =	strace $0x90000046  }
0xb8: {  	s29 =	simm.s32 $0x9;
	_ =	strace $0x80000048  }
0xb9: {  	_ =	swait.ge [sflag:s29], $0x1  }
0xba: {  	[sflag:s29] =	ssyncadd.s32 $0xFFFFFFFF  }
0xbb: {  	_ =	strace $0x90000048  }
0xbc: {  	_ =	sfence  }
0xbd: {  	s30 =	sld [smem:$0x0];
	_ =	sdelay $0x2  }
0xbe: {  	s31 =	sshll.u32 s1, $0xD;
	s1 =	sshrl.u32 s1, $0x2  }
0xbf: {  	s3 =	sand.u32 $0x4000, s31;
	s1 =	sadd.s32 s1, s30  }
0xc0: {  	s0 =	sor.u32 s3, s0;
	s1 =	sshll.u32 s1, $0x11  }
0xc1: {  	s0 =	sor.u32 s1, s0  }
0xc2: {  	s0 =	sadd.s32 $0x8F2B, s0  }
0xc3: {  	[sflag:s0] =	ssyncadd.remote.s32 $0x1  }
0xc4: {  	_ =	sfence.sel $0xFFFF  }
0xc5: {  	[dreg:$0x0] =	wrdreg $0xFFFFFFFF;
	(pc) =	sbr.abs _section_cstart, $3  }
0xc6: {  	[dreg:$0x1] =	wrdreg $0xFFFFFFFF  }
0xc7: {  	_ =	task.clear_ibuf [dreg:s7], $0x2FFFF;
	_ =	strace $0x9FFFFFFF  }
0xc8: {  	(tm) =	ssettm $0x7FFFFFFF  }
0xc9: {  	_ =	shalt  }
tec
execute0_lowered:
.L_overlay_start_1:
0x0: {  	(tag) =	ssettag $0x1  }
0x1: {  	s16 =	rddreg [dreg:$0x0]  }
0x2: {  	s3 =	rddreg [dreg:$0x1];
	s12 =	srdreg.scid;
	s2 =	simm.s32 $0x0  }
0x3: {  	s0 =	stileid.u32;
	s21 =	simm.s32 $0x7D;
	s22 =	simm.s32 $0x10C00  }
0x4: {  	s23 =	simm.s32 $0x5;
	s24 =	simm.s32 $0x6;
	s13 =	sand.u32 $0x1, s12  }
0x5: {  	[smem:$0x7FF] =	sst s2;
	s3 =	sadd.s32 $0x200, s3;
	s18 =	smul.u32 $0x3E, s0  }
0x6: {  	s19 =	sand.u32 $0x2, s12;
	s12 =	sshrl.u32 s12, $0x2;
	s31 =	sshll.u32 s0, $0x6  }
0x7: {  	s4 =	sshll.u32 s13, $0x4;
	s5 =	ssub.s32 $0x2, s13;
	_ =	strace $0x80000047  }
0x8: {  	s17 =	smul.u32 $0x3E0, s13;
	s19 =	ssub.s32 s19, s13;
	s13 =	sxor.u32 $0x3F, s13  }
0x9: {  	s14 =	sor.u32 s0, s4;
	s25 =	sshrl.u32 s5, $0x1;
	s26 =	sadd.s32 $0x5, s19  }
0xa: {  	s19 =	simm.s32 $0x8;
	s6 =	sshll.u32 s14, $0x10;
	s15 =	ssub.s32 s5, s25  }
0xb: {  	s20 =	smul.u32 $0x3E, s14;
	s14 =	smin.u32 s14, $0x10;
	s17 =	sadd.s32 s18, s17  }
0xc: {  	s18 =	sshll.u32 s26, $0xE;
	s25 =	simm.s32 $0x7;
	s4 =	sadd.s32 s3, s6  }
0xd: {  	s15 =	smax.u32 s15, $0x1;
	s18 =	sor.u32 s18, s31;
	s5 =	sadd.s32 $0x2000, s4  }
.Ltmp0:
0xe: {  	s6 =	sadd.s32 $0x4000, s4;
	s7 =	sadd.s32 $0x6000, s4;
	(pc) =	sbr.rel .LBB2_1-.Ltmp0, $4  }
0xf: {  	s8 =	sadd.s32 $0x8000, s4;
	s28 =	sadd.s32 s14, s20;
	s14 =	sadd.s32 s14, s17  }
0x10: {  	s9 =	sadd.s32 $0xA000, s4;
	s29 =	sshll.u32 s28, $0x7;
	s30 =	sshll.u32 s14, $0x7  }
0x11: {  	s10 =	sadd.s32 $0xC000, s4;
	s14 =	sadd.s32 s16, s29;
	s16 =	sadd.s32 s30, s16  }
0x12: {  	v0 =	vimm.s32 $0x0;
	v1 =	vimm.s32 $0x1;
	s11 =	sadd.s32 $0xE000, s4;
	s20 =	simm.s32 $0x10000;
	s16 =	sadd.s32 $0x80, s16  }
.LBB2_8:
0x13: {  	_ =	swait.ge [sflag:s23], $0x7D  }
0x14: {  	[sflag:s23] =	ssyncset.done $0x0  }
0x15: {  	[sflag:s23] =	ssyncadd.s32 $0xFFFFFF83  }
0x16: {  	_ =	swait.ge [sflag:s23], $0x7D  }
0x17: {  	[sflag:s23] =	ssyncset.done $0x0  }
0x18: {  	[sflag:s23] =	ssyncadd.s32 $0xFFFFFF83  }
0x19: {  	_ =	swait.ge [sflag:s23], $0x7D  }
0x1a: {  	[sflag:s23] =	ssyncset.done $0x0  }
0x1b: {  	[sflag:s23] =	ssyncadd.s32 $0xFFFFFF83  }
0x1c: {  	_ =	swait.ge [sflag:s23], $0x7D  }
0x1d: {  	[sflag:s23] =	ssyncset.done $0x0  }
0x1e: {  	[sflag:s23] =	ssyncadd.s32 $0xFFFFFF83  }
0x1f: {  	_ =	swait.ge [sflag:s23], $0x7D  }
0x20: {  	[sflag:s23] =	ssyncset.done $0x0  }
0x21: {  	[sflag:s23] =	ssyncadd.s32 $0xFFFFFF83  }
0x22: {  	_ =	swait.ge [sflag:s23], $0x7D  }
0x23: {  	[sflag:s23] =	ssyncset.done $0x0  }
0x24: {  	[sflag:s23] =	ssyncadd.s32 $0xFFFFFF83  }
0x25: {  	_ =	swait.ge [sflag:s23], $0x7D  }
0x26: {  	[sflag:s23] =	ssyncset.done $0x0  }
0x27: {  	[sflag:s23] =	ssyncadd.s32 $0xFFFFFF83  }
0x28: {  	_ =	swait.ge [sflag:s23], $0x7D  }
0x29: {  	[sflag:s23] =	ssyncset.done $0x0  }
0x2a: {  	[sflag:s23] =	ssyncadd.s32 $0xFFFFFF83  }
0x2b: {  	_ =	swait.ge [sflag:s24], $0x7D  }
0x2c: {  	[sflag:s24] =	ssyncset.done $0x0  }
0x2d: {  	[sflag:s24] =	ssyncadd.s32 $0xFFFFFF83  }
0x2e: {  	_ =	swait.ge [sflag:s24], $0x7D  }
0x2f: {  	[sflag:s24] =	ssyncset.done $0x0  }
0x30: {  	[sflag:s24] =	ssyncadd.s32 $0xFFFFFF83  }
0x31: {  	_ =	swait.ge [sflag:s24], $0x7D  }
0x32: {  	[sflag:s24] =	ssyncset.done $0x0  }
0x33: {  	[sflag:s24] =	ssyncadd.s32 $0xFFFFFF83  }
0x34: {  	_ =	swait.ge [sflag:s24], $0x7D  }
0x35: {  	[sflag:s24] =	ssyncset.done $0x0  }
0x36: {  	[sflag:s24] =	ssyncadd.s32 $0xFFFFFF83  }
0x37: {  	_ =	swait.ge [sflag:s24], $0x7D  }
0x38: {  	[sflag:s24] =	ssyncset.done $0x0  }
0x39: {  	[sflag:s24] =	ssyncadd.s32 $0xFFFFFF83  }
0x3a: {  	_ =	swait.ge [sflag:s24], $0x7D  }
0x3b: {  	[sflag:s24] =	ssyncset.done $0x0  }
0x3c: {  	[sflag:s24] =	ssyncadd.s32 $0xFFFFFF83  }
0x3d: {  	_ =	swait.ge [sflag:s24], $0x7D  }
0x3e: {  	[sflag:s24] =	ssyncset.done $0x0  }
0x3f: {  	[sflag:s24] =	ssyncadd.s32 $0xFFFFFF83  }
0x40: {  	_ =	swait.ge [sflag:s24], $0x7D  }
0x41: {  	[sflag:s24] =	ssyncset.done $0x0  }
0x42: {  	[sflag:s24] =	ssyncadd.s32 $0xFFFFFF83  }
0x43: {  	_ =	swait.ge [sflag:s25], $0x7D  }
0x44: {  	[sflag:s25] =	ssyncset.done $0x0  }
0x45: {  	[sflag:s25] =	ssyncadd.s32 $0xFFFFFF83  }
0x46: {  	_ =	swait.ge [sflag:s25], $0x7D  }
0x47: {  	[sflag:s25] =	ssyncset.done $0x0  }
0x48: {  	[sflag:s25] =	ssyncadd.s32 $0xFFFFFF83  }
0x49: {  	_ =	swait.ge [sflag:s25], $0x7D  }
0x4a: {  	[sflag:s25] =	ssyncset.done $0x0  }
0x4b: {  	[sflag:s25] =	ssyncadd.s32 $0xFFFFFF83  }
0x4c: {  	_ =	swait.ge [sflag:s25], $0x7D  }
0x4d: {  	[sflag:s25] =	ssyncset.done $0x0  }
0x4e: {  	[sflag:s25] =	ssyncadd.s32 $0xFFFFFF83  }
0x4f: {  	_ =	swait.ge [sflag:s25], $0x7D  }
0x50: {  	[sflag:s25] =	ssyncset.done $0x0  }
0x51: {  	[sflag:s25] =	ssyncadd.s32 $0xFFFFFF83  }
0x52: {  	_ =	swait.ge [sflag:s25], $0x7D  }
0x53: {  	[sflag:s25] =	ssyncset.done $0x0  }
0x54: {  	s2 =	sadd.s32 $0x1, s2;
	[sflag:s25] =	ssyncadd.s32 $0xFFFFFF83  }
0x55: {  	p0 =	sne.s32 s2, s15;
	_ =	swait.ge [sflag:s25], $0x7D  }
.Ltmp1:
0x56: {  	[sflag:s25] =	ssyncset.done $0x0;
	(pc) =	sbr.rel @!p0 .LBB2_9-.Ltmp1, $4  }
0x57: {  	[sflag:s25] =	ssyncadd.s32 $0xFFFFFF83  }
0x58: {  	_ =	swait.ge [sflag:s25], $0x7D  }
0x59: {  	[sflag:s25] =	ssyncset.done $0x0  }
0x5a: {  	[sflag:s25] =	ssyncadd.s32 $0xFFFFFF83  }
.LBB2_1:
0x5b: {  	s26 =	simm.s32 $0x40;
	s28 =	simm.s32 $0x0  }
.LBB2_2:
0x5c: {  	p0 =	sne.s32 s26, $0x3FFC0;
	[tilespmem:s28+$0x0] =	vst v0;
	s28 =	smov.u32 s26;
	s26 =	sadd.s32 $0x40, s26  }
.Ltmp2:
0x5d: {  	(pc) =	sbr.rel @p0 .LBB2_2-.Ltmp2, $2  }
0x5e: {  	_ =	sdelay $0x2  }
0x5f: {  	s28 =	sshra.s32 s28, $0x2  }
0x60: {  	[tilespmem:s28+$0x0] =	vst v0  }
0x61: {  	[tilespmem:$0x10C00] =	vst v1  }
0x62: {  	[tilespmem:$0x10C10] =	vst v1  }
0x63: {  	[tilespmem:$0x10C20] =	vst v1  }
0x64: {  	[tilespmem:$0x10C30] =	vst v1  }
0x65: {  	[tilespmem:$0x10C40] =	vst v1  }
0x66: {  	[tilespmem:$0x10C50] =	vst v1  }
0x67: {  	[tilespmem:$0x10C60] =	vst v1  }
0x68: {  	s26 =	simm.s32 $0x0;
	[tilespmem:$0x10C6D] =	vst v1  }
0x69: {  	[hbm4b:s4+s26] =	stream.linear.scatter [tilespmem:s26], [sflag:$0x1], $0x10000, $0x38;
	[tilespmem:$0x10C80] =	vst v63  }
0x6a: {  	_ = 	snop  }
0x6b: {  	[hbm4b:s5+s26] =	stream.linear.scatter [tilespmem:s26], [sflag:$0x1], $0x10000, $0x38;
	[tilespmem:$0x10C80] =	vst v63  }
0x6c: {  	_ = 	snop  }
0x6d: {  	[hbm4b:s6+s26] =	stream.linear.scatter [tilespmem:s26], [sflag:$0x1], $0x10000, $0x38;
	[tilespmem:$0x10C80] =	vst v63  }
0x6e: {  	_ = 	snop  }
0x6f: {  	[hbm4b:s7+s26] =	stream.linear.scatter [tilespmem:s26], [sflag:$0x1], $0x10000, $0x38;
	[tilespmem:$0x10C80] =	vst v63  }
0x70: {  	_ = 	snop  }
0x71: {  	[hbm4b:s8+s26] =	stream.linear.scatter [tilespmem:s26], [sflag:$0x1], $0x10000, $0x38;
	[tilespmem:$0x10C80] =	vst v63  }
0x72: {  	_ = 	snop  }
0x73: {  	[hbm4b:s9+s26] =	stream.linear.scatter [tilespmem:s26], [sflag:$0x1], $0x10000, $0x38;
	[tilespmem:$0x10C80] =	vst v63  }
0x74: {  	_ = 	snop  }
0x75: {  	[hbm4b:s10+s26] =	stream.linear.scatter [tilespmem:s26], [sflag:$0x1], $0x10000, $0x38;
	[tilespmem:$0x10C80] =	vst v63  }
0x76: {  	s28 =	simm.s32 $0x1  }
0x77: {  	[hbm4b:s11+s26] =	stream.linear.scatter [tilespmem:s26], [sflag:$0x1], $0x10000, $0x38;
	[tilespmem:$0x10C80] =	vst v63  }
0x78: {  	_ =	swait.ge [sflag:s28], $0x10000  }
0x79: {  	[sflag:s28] =	ssyncset.done $0x0  }
0x7a: {  	[sflag:s28] =	ssyncadd.s32 $0xFFFF0000  }
0x7b: {  	_ =	swait.ge [sflag:s28], $0x10000  }
0x7c: {  	[sflag:s28] =	ssyncset.done $0x0  }
0x7d: {  	[sflag:s28] =	ssyncadd.s32 $0xFFFF0000  }
0x7e: {  	_ =	swait.ge [sflag:s28], $0x10000  }
0x7f: {  	[sflag:s28] =	ssyncset.done $0x0  }
0x80: {  	[sflag:s28] =	ssyncadd.s32 $0xFFFF0000  }
0x81: {  	_ =	swait.ge [sflag:s28], $0x10000  }
0x82: {  	[sflag:s28] =	ssyncset.done $0x0  }
0x83: {  	[sflag:s28] =	ssyncadd.s32 $0xFFFF0000  }
0x84: {  	_ =	swait.ge [sflag:s28], $0x10000  }
0x85: {  	[sflag:s28] =	ssyncset.done $0x0  }
0x86: {  	[sflag:s28] =	ssyncadd.s32 $0xFFFF0000  }
0x87: {  	_ =	swait.ge [sflag:s28], $0x10000  }
0x88: {  	[sflag:s28] =	ssyncset.done $0x0  }
0x89: {  	[sflag:s28] =	ssyncadd.s32 $0xFFFF0000  }
0x8a: {  	_ =	swait.ge [sflag:s28], $0x10000  }
0x8b: {  	[sflag:s28] =	ssyncset.done $0x0  }
0x8c: {  	[sflag:s28] =	ssyncadd.s32 $0xFFFF0000  }
0x8d: {  	_ =	swait.ge [sflag:s28], $0x10000  }
0x8e: {  	[sflag:s28] =	ssyncset.done $0x0  }
0x8f: {  	[sflag:s28] =	ssyncadd.s32 $0xFFFF0000  }
0x90: {  	s0 =	simm.s32 $0x100000;
	[bflag:$0x0] =	sbarrier.arrive $0xFFFF  }
0x91: {  	[smem:s0], [sflag:$0x0] =	smem.add.s32 $0x0  }
0x92: {  	_ =	swait.done [sflag:s26]  }
0x93: {  	s29 =	ssyncread [sflag:$0x0];
	_ =	sdelay $0x2  }
0x94: {  	s29 =	sadd.s32 s12, s29  }
0x95: {  	s29 =	sshll.u32 s29, $0x11  }
0x96: {  	[sflag:s26] =	ssyncset.s32 $0x0;
	s29 =	sor.u32 s29, s18  }
0x97: {  	[sflag:s26] =	ssyncset.done $0x0;
	s29 =	sor.u32 $0x1C08, s29  }
.Ltmp3:
0x98: {  	[sflag:s29] =	ssyncadd.remote.s32 $0x1;
	(pc) =	sbr.rel .LBB2_4-.Ltmp3, $4  }
0x99: {  	_ =	swait.ge [sflag:s19], $0x1  }
0x9a: {  	[sflag:s19] =	ssyncset.done $0x0  }
0x9b: {  	s29 =	smov.u32 s16;
	[sflag:s19] =	ssyncadd.s32 $0xFFFFFFFF  }
0x9c: {  	[tilespmem:s20], [sflag:$0x2] =	stream.linear.gather [hbm4b:s14+s26], $0x400, $0x38;
	[tilespmem:$0x10C80] =	vst v63  }
.LBB2_6:
0x9d: {  	s31 =	smul.u32 $0xAB, s30;
	_ =	sdelay $0x1  }
0x9e: {  	s31 =	sshrl.u32 s31, $0x9  }
0x9f: {  	s31 =	sand.u32 $0x7F, s31  }
0xa0: {  	s31 =	smul.u32 $0x3, s31;
	_ =	sdelay $0x1  }
0xa1: {  	s31 =	ssub.s32 s30, s31  }
0xa2: {  	s31 =	sand.u32 $0xFF, s31  }
0xa3: {  	s0 =	sadd.s32 $0x2, s31  }
0xa4: {  	_ =	swait.ge [sflag:s0], $0x400  }
0xa5: {  	s1 =	sshll.u32 s31, $0xA;
	[sflag:s0] =	ssyncset.done $0x0  }
0xa6: {  	s31 =	sadd.s32 $0x5, s31;
	s17 =	sor.u32 $0x10000, s1;
	[sflag:s0] =	ssyncadd.s32 $0xFFFFFC00  }
0xa7: {  	[hbm4b:s3+s21] =	stream.indirect.scatter [tilespmem:s22], [sflag:s31], $0x1, s17, s21, $0xb8;
	[tilespmem:$0x10C80] =	vst v63  }
0xa8: {  	s17 =	sor.u32 $0x10080, s1  }
0xa9: {  	[hbm4b:s3+s21] =	stream.indirect.scatter [tilespmem:s22], [sflag:s31], $0x1, s17, s21, $0xb8;
	[tilespmem:$0x10C80] =	vst v63  }
0xaa: {  	s0 =	smul.u32 $0xAB, s28;
	s17 =	sor.u32 $0x10100, s1  }
0xab: {  	[hbm4b:s3+s21] =	stream.indirect.scatter [tilespmem:s22], [sflag:s31], $0x1, s17, s21, $0xb8;
	[tilespmem:$0x10C80] =	vst v63  }
0xac: {  	s0 =	sshrl.u32 s0, $0x9;
	s17 =	sor.u32 $0x10180, s1  }
0xad: {  	[hbm4b:s3+s21] =	stream.indirect.scatter [tilespmem:s22], [sflag:s31], $0x1, s17, s21, $0xb8;
	[tilespmem:$0x10C80] =	vst v63  }
0xae: {  	s0 =	sand.u32 $0x7F, s0;
	s17 =	sor.u32 $0x10200, s1  }
0xaf: {  	[hbm4b:s3+s21] =	stream.indirect.scatter [tilespmem:s22], [sflag:s31], $0x1, s17, s21, $0xb8;
	[tilespmem:$0x10C80] =	vst v63  }
0xb0: {  	p0 =	sge.u32 s28, s13;
	s0 =	smul.u32 $0x3, s0;
	s17 =	sor.u32 $0x10280, s1  }
0xb1: {  	[hbm4b:s3+s21] =	stream.indirect.scatter [tilespmem:s22], [sflag:s31], $0x1, s17, s21, $0xb8;
	[tilespmem:$0x10C80] =	vst v63  }
0xb2: {  	p1 =	slt.u32 @!p0 s30, $0x2;
	s0 =	ssub.s32 s28, s0;
	s17 =	sor.u32 $0x10300, s1  }
0xb3: {  	[hbm4b:s3+s21] =	stream.indirect.scatter [tilespmem:s22], [sflag:s31], $0x1, s17, s21, $0xb8;
	[tilespmem:$0x10C80] =	vst v63  }
0xb4: {  	p1 =	por p1, p0;
	s0 =	sand.u32 $0xFF, s0;
	s1 =	sor.u32 $0x10380, s1  }
0xb5: {  	[hbm4b:s3+s21] =	stream.indirect.scatter [tilespmem:s22], [sflag:s31], $0x1, s1, s21, $0xb8;
	[tilespmem:$0x10C80] =	vst v63  }
0xb6: {  	s1 =	sadd.s32 @!p1 $0x5, s0  }
0xb7: {  	_ =	swait.ge @!p1 [sflag:s1], $0x7D  }
0xb8: {  	[sflag:s1] =	ssyncset.done @!p1 $0x0  }
0xb9: {  	[sflag:s1] =	ssyncadd.s32 @!p1 $0xFFFFFF83  }
0xba: {  	_ =	swait.ge @!p1 [sflag:s1], $0x7D  }
0xbb: {  	[sflag:s1] =	ssyncset.done @!p1 $0x0  }
0xbc: {  	[sflag:s1] =	ssyncadd.s32 @!p1 $0xFFFFFF83  }
0xbd: {  	_ =	swait.ge @!p1 [sflag:s1], $0x7D  }
0xbe: {  	[sflag:s1] =	ssyncset.done @!p1 $0x0  }
0xbf: {  	[sflag:s1] =	ssyncadd.s32 @!p1 $0xFFFFFF83  }
0xc0: {  	_ =	swait.ge @!p1 [sflag:s1], $0x7D  }
0xc1: {  	[sflag:s1] =	ssyncset.done @!p1 $0x0  }
0xc2: {  	[sflag:s1] =	ssyncadd.s32 @!p1 $0xFFFFFF83  }
0xc3: {  	_ =	swait.ge @!p1 [sflag:s1], $0x7D  }
0xc4: {  	[sflag:s1] =	ssyncset.done @!p1 $0x0  }
0xc5: {  	[sflag:s1] =	ssyncadd.s32 @!p1 $0xFFFFFF83  }
0xc6: {  	_ =	swait.ge @!p1 [sflag:s1], $0x7D  }
0xc7: {  	[sflag:s1] =	ssyncset.done @!p1 $0x0  }
0xc8: {  	[sflag:s1] =	ssyncadd.s32 @!p1 $0xFFFFFF83  }
0xc9: {  	_ =	swait.ge @!p1 [sflag:s1], $0x7D  }
0xca: {  	[sflag:s1] =	ssyncset.done @!p1 $0x0  }
0xcb: {  	[sflag:s1] =	ssyncadd.s32 @!p1 $0xFFFFFF83  }
0xcc: {  	_ =	swait.ge @!p1 [sflag:s1], $0x7D  }
0xcd: {  	[sflag:s1] =	ssyncset.done @!p1 $0x0  }
0xce: {  	s26 =	sadd.s32 $0x1, s26;
	[sflag:s1] =	ssyncadd.s32 @!p1 $0xFFFFFF83;
	s1 =	sshll.u32 @!p0 s0, $0xA  }
0xcf: {  	s17 =	simm.s32 @!p0 $0x0;
	s0 =	sadd.s32 @!p0 $0x2, s0;
	s1 =	sadd.s32 @!p0 $0x10000, s1  }
0xd0: {  	[tilespmem:s1], [sflag:s0] =	stream.linear.gather @!p0 [hbm4b:s29+s17], $0x400, $0x38;
	[tilespmem:$0x10C80] =	vst v63  }
.LBB2_7:
0xd1: {  	s28 =	sadd.s32 $0x1, s28  }
0xd2: {  	p0 =	sne.s32 s28, $0x40  }
.Ltmp4:
0xd3: {  	_ = 	snop;
	(pc) =	sbr.rel @!p0 .LBB2_8-.Ltmp4, $2  }
0xd4: {  	_ =	sdelay $0x2  }
0xd5: {  	s29 =	sadd.s32 $0x80, s29  }
.LBB2_4:
0xd6: {  	s30 =	sadd.s32 $0xFFFFFFFF, s28  }
0xd7: {  	p0 =	slt.u32 s30, s13  }
.Ltmp5:
0xd8: {  	_ = 	snop;
	(pc) =	sbr.rel @p0 .LBB2_6-.Ltmp5, $1  }
0xd9: {  	_ =	sdelay $0x3  }
.Ltmp6:
0xda: {  	(pc) =	sbr.rel .LBB2_7-.Ltmp6, $2  }
0xdb: {  	_ =	sdelay $0x2  }
0xdc: {  	s26 =	sadd.s32 $0x1, s26  }
.LBB2_9:
0xdd: {  	_ =	sfence.sel $0x180000  }
0xde: {  	[bflag:$0x0] =	sbarrier.arrive $0xFFFF  }
0xdf: {  	_ =	strace $0x90000047  }
0xe0: {  	s0 =	stileid.u32;
	[bflag:$0x2] =	sbarrier.arrive $0xFFFF  }
0xe1: {  	p0 =	sne.s32 s0, $0x0;
	s0 =	rddreg [dreg:$0x2]  }
0xe2: {  	s0 =	sadd.s32 @!p0 $0x100000, s0  }
0xe3: {  	[sflag:s0] =	ssyncadd.tile.s32 @!p0 $0x1;
	_ =	shalt  }
.Lfunc_end2:
_tile_overlayer_lowered:
.L_overlay_start_2:
0xe4: {  	(tag) =	ssettag $0x2  }
0xe5: {  	s0 =	rddreg [dreg:$0x0];
	s2 =	stileid.u32  }
0xe6: {  	s1 =	rddreg [dreg:$0x1];
	p0 =	sne.s32 s2, $0x0  }
0xe7: {  	s3 =	rddreg [dreg:$0x2];
	[bflag:$0x3] =	sbarrier.arrive $0xFFFF;
	s2 =	simm.s32 @!p0 $0x1C09  }
0xe8: {  	[timem:s3], [sflag:s2] =	dma.local @!p0 [hbm:s0], s1  }
0xe9: {  	s0 =	simm.s32 @!p0 $0x9  }
0xea: {  	_ =	swait.ge @!p0 [sflag:s0], s1  }
0xeb: {  	s1 =	ssub.s32 @!p0 $0x0, s1;
	[sflag:s0] =	ssyncset.done @!p0 $0x0  }
0xec: {  	[sflag:s0] =	ssyncadd.s32 @!p0 s1  }
0xed: {  	[bflag:$0x3] =	sbarrier.arrive $0xFFFF  }
0xee: {  	_ =	shalt  }

</sc_bundles>
